<compile_context>
chip_gen: v7x
topology: tpu7x:2x2x1
jax: 0.10.2.dev20260603
libtpu: 0.0.44.dev20260713+nightly
codegen_flags: <defaults>
</compile_context>

<pallas_src>
import functools

import jax
import jax.numpy as jnp
from jax import lax
from jax.experimental import pallas as pl
from jax.experimental.pallas import tpu as pltpu
from jax.experimental.pallas import tpu_sc as plsc

N_NODES = 10000
N_EDGES = 320000
IN_DIM = 128
HIDDEN = 64
OUT_DIM = 8
N_GRAPHS = 64

NC, NS = 2, 16
NW = NC * NS
CH = 125
CPT = 80
ROWS_PAD = 10240
RPT = ROWS_PAD // NS

ROW_BLK = 1000
N_BLK = N_NODES // ROW_BLK
PAD_BLK = 1024
N_PAD_BLK = ROWS_PAD // PAD_BLK

_sc_mesh = plsc.VectorSubcoreMesh(core_axis_name="c", subcore_axis_name="s")
_sc_params = pltpu.CompilerParams(use_tc_tiling_on_sc=False)


def _deg_body(dst_hbm, zeros_hbm, ones_hbm, degp_hbm,
              dstv, valv, acc, sem):
    c = lax.axis_index("c")
    s = lax.axis_index("s")
    w = c * NS + s
    pltpu.sync_copy(zeros_hbm, acc.at[pl.ds(s * RPT, RPT)])
    pltpu.sync_copy(dst_hbm.at[w], dstv)
    pltpu.sync_copy(ones_hbm, valv)
    plsc.subcore_barrier()

    def step(j, carry):
        pltpu.sync_copy(valv, acc.at[dstv.at[j]], add=True)
        return carry

    lax.fori_loop(0, CPT, step, 0, unroll=4)
    plsc.subcore_barrier()
    pltpu.sync_copy(acc.at[pl.ds(s * RPT, RPT)],
                    degp_hbm.at[c, pl.ds(s * RPT, RPT)])


_deg_kernel = functools.partial(
    pl.kernel,
    out_type=jax.ShapeDtypeStruct((NC, ROWS_PAD, 8), jnp.float32),
    mesh=_sc_mesh,
    scratch_types=[
        pltpu.VMEM((CPT, CH), jnp.int32),
        pltpu.VMEM((CH, 8), jnp.float32),
        pltpu.VMEM_SHARED((ROWS_PAD, 8), jnp.float32),
        pltpu.SemaphoreType.DMA,
    ],
    compiler_params=_sc_params,
)(_deg_body)


def _edge_phase(hp_s, acc, srcv, dstv, rows_a, rows_b, sem_a, sem_b):
    ra = rows_a.at[pl.ds(0, CH)]
    rb = rows_b.at[pl.ds(0, CH)]
    pltpu.async_copy(hp_s.at[srcv.at[0]], ra, sem_a)

    def step(jj, carry):
        c0 = 2 * jj
        c1 = c0 + 1
        c2 = jnp.minimum(c0 + 2, CPT - 1)
        pltpu.make_async_copy(hp_s.at[srcv.at[c0]], ra, sem_a).wait()
        pltpu.async_copy(hp_s.at[srcv.at[c1]], rb, sem_b)
        pltpu.sync_copy(ra, acc.at[dstv.at[c0]], add=True)
        pltpu.make_async_copy(hp_s.at[srcv.at[c1]], rb, sem_b).wait()
        pltpu.async_copy(hp_s.at[srcv.at[c2]], ra, sem_a)
        pltpu.sync_copy(rb, acc.at[dstv.at[c1]], add=True)
        return carry

    lax.fori_loop(0, CPT // 2, step, 0)
    pltpu.make_async_copy(hp_s.at[srcv.at[CPT - 1]], ra, sem_a).wait()


def _prop_body(hp_hbm, src_hbm, dst_hbm, zeros_hbm, out_hbm,
                srcv, dstv, rows_a, rows_b, acc, hp_s, sem_a, sem_b):
    c = lax.axis_index("c")
    s = lax.axis_index("s")
    w = c * NS + s
    row0 = s * RPT
    pltpu.sync_copy(zeros_hbm, acc.at[pl.ds(row0, RPT)])
    pltpu.sync_copy(src_hbm.at[w], srcv)
    pltpu.sync_copy(dst_hbm.at[w], dstv)
    pltpu.sync_copy(hp_hbm.at[pl.ds(row0, RPT)], hp_s.at[pl.ds(row0, RPT)])
    plsc.subcore_barrier()
    _edge_phase(hp_s, acc, srcv, dstv, rows_a, rows_b, sem_a, sem_b)
    plsc.subcore_barrier()
    pltpu.sync_copy(acc.at[pl.ds(row0, RPT)],
                    out_hbm.at[c, pl.ds(row0, RPT)])


_prop_kernel = functools.partial(
    pl.kernel,
    out_type=jax.ShapeDtypeStruct((NC, ROWS_PAD, HIDDEN), jnp.float32),
    mesh=_sc_mesh,
    scratch_types=[
        pltpu.VMEM((CPT, CH), jnp.int32),
        pltpu.VMEM((CPT, CH), jnp.int32),
        pltpu.VMEM((CH, HIDDEN), jnp.float32),
        pltpu.VMEM((CH, HIDDEN), jnp.float32),
        pltpu.VMEM_SHARED((ROWS_PAD, HIDDEN), jnp.float32),
        pltpu.VMEM_SHARED((ROWS_PAD, HIDDEN), jnp.float32),
        pltpu.SemaphoreType.DMA,
        pltpu.SemaphoreType.DMA,
    ],
    compiler_params=_sc_params,
)(_prop_body)


def _tc_mm1_body(x_ref, w1_ref, mm1_ref):
    mm1_ref[...] = jnp.dot(x_ref[...], w1_ref[...],
                           preferred_element_type=jnp.float32)


def _tc_mm1(x, W1):
    return pl.pallas_call(
        _tc_mm1_body,
        grid=(N_BLK,),
        in_specs=[
            pl.BlockSpec((ROW_BLK, IN_DIM), lambda i: (i, 0)),
            pl.BlockSpec((IN_DIM, HIDDEN), lambda i: (0, 0)),
        ],
        out_specs=pl.BlockSpec((ROW_BLK, HIDDEN), lambda i: (i, 0)),
        out_shape=jax.ShapeDtypeStruct((ROWS_PAD, HIDDEN), jnp.float32),
    )(x, W1)


def _dinv_from(degp_ref):
    deg = degp_ref[0, :, 0:1] + degp_ref[1, :, 0:1] + 1.0
    return lax.rsqrt(deg)


def _tc_scale_body(degp_ref, mm1_ref, hp1_ref):
    hp1_ref[...] = mm1_ref[...] * _dinv_from(degp_ref)


def _tc_scale(degp, mm1):
    return pl.pallas_call(
        _tc_scale_body,
        grid=(N_PAD_BLK,),
        in_specs=[
            pl.BlockSpec((NC, PAD_BLK, 8), lambda i: (0, i, 0)),
            pl.BlockSpec((PAD_BLK, HIDDEN), lambda i: (i, 0)),
        ],
        out_specs=pl.BlockSpec((PAD_BLK, HIDDEN), lambda i: (i, 0)),
        out_shape=jax.ShapeDtypeStruct((ROWS_PAD, HIDDEN), jnp.float32),
    )(degp, mm1)


def _tc_b_body(degp_ref, hp1_ref, sp_ref, b_ref, w2_ref, hp2_ref):
    dinv = _dinv_from(degp_ref)
    h = (sp_ref[0] + sp_ref[1] + hp1_ref[...]) * dinv + b_ref[...]
    h = jnp.maximum(h, 0.0)
    hp2_ref[...] = jnp.dot(h, w2_ref[...],
                           preferred_element_type=jnp.float32) * dinv


def _tc_b(degp, hp1, sp, b1, W2):
    return pl.pallas_call(
        _tc_b_body,
        grid=(N_BLK,),
        in_specs=[
            pl.BlockSpec((NC, ROW_BLK, 8), lambda i: (0, i, 0)),
            pl.BlockSpec((ROW_BLK, HIDDEN), lambda i: (i, 0)),
            pl.BlockSpec((NC, ROW_BLK, HIDDEN), lambda i: (0, i, 0)),
            pl.BlockSpec((1, HIDDEN), lambda i: (0, 0)),
            pl.BlockSpec((HIDDEN, HIDDEN), lambda i: (0, 0)),
        ],
        out_specs=pl.BlockSpec((ROW_BLK, HIDDEN), lambda i: (i, 0)),
        out_shape=jax.ShapeDtypeStruct((ROWS_PAD, HIDDEN), jnp.float32),
    )(degp, hp1, sp, b1, W2)


def _tc_c_body(degp_ref, sp_ref, hp_ref, b_ref, batch_ref, wlin_ref,
               blin_ref, out_ref, pooled_scr, counts_scr):
    i = pl.program_id(0)

    @pl.when(i == 0)
    def _init():
        pooled_scr[...] = jnp.zeros_like(pooled_scr)
        counts_scr[...] = jnp.zeros_like(counts_scr)

    dinv = _dinv_from(degp_ref)
    h = (sp_ref[0] + sp_ref[1] + hp_ref[...]) * dinv + b_ref[...]
    h = jnp.maximum(h, 0.0)
    gids = lax.broadcasted_iota(jnp.int32, (ROW_BLK, N_GRAPHS), 1
                                ).astype(jnp.float32)
    onehot = jnp.where(batch_ref[...] == gids, 1.0, 0.0)
    pooled_scr[...] += lax.dot_general(
        onehot, h, (((0,), (0,)), ((), ())),
        preferred_element_type=jnp.float32)
    counts_scr[...] += lax.dot_general(
        onehot, jnp.ones((ROW_BLK, N_GRAPHS), jnp.float32),
        (((0,), (0,)), ((), ())), preferred_element_type=jnp.float32)

    @pl.when(i == N_BLK - 1)
    def _fin():
        counts = jnp.maximum(counts_scr[...][:, 0:HIDDEN], 1.0)
        pooled = pooled_scr[...] / counts
        out_ref[...] = jnp.dot(pooled, wlin_ref[...],
                               preferred_element_type=jnp.float32) + blin_ref[...]


def _tc_c(degp, sp, hp2, b2, batchf, Wlin, blin):
    return pl.pallas_call(
        _tc_c_body,
        grid=(N_BLK,),
        in_specs=[
            pl.BlockSpec((NC, ROW_BLK, 8), lambda i: (0, i, 0)),
            pl.BlockSpec((NC, ROW_BLK, HIDDEN), lambda i: (0, i, 0)),
            pl.BlockSpec((ROW_BLK, HIDDEN), lambda i: (i, 0)),
            pl.BlockSpec((1, HIDDEN), lambda i: (0, 0)),
            pl.BlockSpec((ROW_BLK, 1), lambda i: (i, 0)),
            pl.BlockSpec((HIDDEN, OUT_DIM), lambda i: (0, 0)),
            pl.BlockSpec((1, OUT_DIM), lambda i: (0, 0)),
        ],
        out_specs=pl.BlockSpec((N_GRAPHS, OUT_DIM), lambda i: (0, 0)),
        out_shape=jax.ShapeDtypeStruct((N_GRAPHS, OUT_DIM), jnp.float32),
        scratch_shapes=[
            pltpu.VMEM((N_GRAPHS, N_GRAPHS), jnp.float32),
            pltpu.VMEM((N_GRAPHS, N_GRAPHS), jnp.float32),
        ],
    )(degp, sp, hp2, b2, batchf, Wlin, blin)


@jax.jit
def kernel(x, edge_index, batch, W1, b1, W2, b2, Wlin, blin):
    srcp = edge_index[0].astype(jnp.int32).reshape(NW, CPT, CH)
    dstp = edge_index[1].astype(jnp.int32).reshape(NW, CPT, CH)

    zeros16 = jnp.zeros((RPT, 8), jnp.float32)
    zeros64 = jnp.zeros((RPT, HIDDEN), jnp.float32)
    ones_rows = jnp.ones((CH, 8), jnp.float32)

    mm1 = _tc_mm1(x, W1)
    degp = _deg_kernel(dstp, zeros16, ones_rows)
    hp1 = _tc_scale(degp, mm1)
    sp1 = _prop_kernel(hp1, srcp, dstp, zeros64)
    hp2 = _tc_b(degp, hp1, sp1, b1.reshape(1, HIDDEN), W2)
    sp2 = _prop_kernel(hp2, srcp, dstp, zeros64)
    batchf = batch.astype(jnp.float32).reshape(N_NODES, 1)
    logits = _tc_c(degp, sp2, hp2, b2.reshape(1, HIDDEN), batchf,
                   Wlin, blin.reshape(1, OUT_DIM))
    return logits

# --- scband reference (transcript-rebuilt; emitter-appended) ---
"""Pipeline reference for scband-arc-rule-family-gnn-11974368821434 (READ-ONLY COPY).

The authoritative reference and input builder live on the scoring server;
editing this copy changes nothing except your own understanding.
"""

import jax, jax.numpy as jnp
import numpy as np

N_NODES = 10000
N_EDGES = 320000
IN_DIM = 128
HIDDEN = 64
OUT_DIM = 8  # len(RuleFamily) assumed = 8
N_GRAPHS = 64


def gcn_conv(x, edge_index, W, b, num_nodes):
    # PyG GCNConv: add self-loops, symmetric normalization, linear transform, scatter-add
    src = edge_index[0]
    dst = edge_index[1]
    loop = jnp.arange(num_nodes, dtype=src.dtype)
    src = jnp.concatenate([src, loop])
    dst = jnp.concatenate([dst, loop])
    h = x @ W
    deg = jnp.zeros((num_nodes,), dtype=x.dtype).at[dst].add(1.0)
    dinv = jnp.where(deg > 0, deg ** -0.5, 0.0)
    norm = dinv[src] * dinv[dst]
    msg = h[src] * norm[:, None]
    out = jnp.zeros((num_nodes, h.shape[1]), dtype=x.dtype).at[dst].add(msg)
    return out + b


def global_mean_pool(x, batch, num_graphs):
    sums = jax.ops.segment_sum(x, batch, num_segments=num_graphs)
    counts = jax.ops.segment_sum(jnp.ones((x.shape[0],), dtype=x.dtype), batch, num_segments=num_graphs)
    counts = jnp.maximum(counts, 1.0)
    return sums / counts[:, None]


def setup_inputs(seed: int = 0) -> dict:
    key = jax.random.key(seed)
    ks = jax.random.split(key, 8)
    x = jax.random.normal(ks[0], (N_NODES, IN_DIM), dtype=jnp.float32)
    edge_index = jax.random.randint(ks[1], (2, N_EDGES), 0, N_NODES, dtype=jnp.int64 if jax.config.jax_enable_x64 else jnp.int32)
    batch = jnp.sort(jax.random.randint(ks[2], (N_NODES,), 0, N_GRAPHS, dtype=jnp.int32))
    W1 = jax.random.normal(ks[3], (IN_DIM, HIDDEN), dtype=jnp.float32) * 0.1
    b1 = jnp.zeros((HIDDEN,), dtype=jnp.float32)
    W2 = jax.random.normal(ks[4], (HIDDEN, HIDDEN), dtype=jnp.float32) * 0.1
    b2 = jnp.zeros((HIDDEN,), dtype=jnp.float32)
    Wlin = jax.random.normal(ks[5], (HIDDEN, OUT_DIM), dtype=jnp.float32) * 0.1
    blin = jnp.zeros((OUT_DIM,), dtype=jnp.float32)
    return {"x": x, "edge_index": edge_index, "batch": batch, "W1": W1, "b1": b1, "W2": W2, "b2": b2, "Wlin": Wlin, "blin": blin}


def reference(x, edge_index, batch, W1, b1, W2, b2, Wlin, blin):
    h = gcn_conv(x, edge_index, W1, b1, N_NODES)
    h = jax.nn.relu(h)
    h = gcn_conv(h, edge_index, W2, b2, N_NODES)
    h = jax.nn.relu(h)
    pooled = global_mean_pool(h, batch, N_GRAPHS)
    logits = pooled @ Wlin + blin
    return logits

if __name__ == "__main__":
    import jax
    _d = setup_inputs()
    print(jax.jit(kernel)(*tuple(_d.values())))

</pallas_src>

<mosaic_0001>
#map = affine_map<(d0, d1) -> (0, 0)>
#map1 = affine_map<(d0, d1) -> (0, 0, 0)>
module attributes {stable_mosaic.version = 14 : i64} {
  func.func @_prop_body(%arg0: i32, %arg1: i32, %arg2: memref<10240x64xf32, #tpu.memory_space<hbm>>, %arg3: memref<32x80x125xi32, #tpu.memory_space<hbm>>, %arg4: memref<32x80x125xi32, #tpu.memory_space<hbm>>, %arg5: memref<640x64xf32, #tpu.memory_space<hbm>>, %arg6: memref<2x10240x64xf32, #tpu.memory_space<hbm>>, %arg7: memref<80x125xi32, #tpu.memory_space<vmem>>, %arg8: memref<80x125xi32, #tpu.memory_space<vmem>>, %arg9: memref<125x64xf32, #tpu.memory_space<vmem>>, %arg10: memref<125x64xf32, #tpu.memory_space<vmem>>, %arg11: memref<10240x64xf32, #tpu.memory_space<vmem_shared>>, %arg12: memref<10240x64xf32, #tpu.memory_space<vmem_shared>>, %arg13: memref<!tpu.dma_semaphore, #tpu.memory_space<semaphore_mem>>, %arg14: memref<!tpu.dma_semaphore, #tpu.memory_space<semaphore_mem>>) attributes {dimension_semantics = [#tpu.dimension_semantics<core_parallel>, #tpu.dimension_semantics<subcore_parallel>], iteration_bounds = array<i64: 2, 16>, scalar_prefetch = 0 : i64, scratch_operands = 8 : i64, tpu.core_type = #tpu.core_type<sc_vector_subcore>, window_params = [{transform_indices = #map}, {transform_indices = #map1}, {transform_indices = #map1}, {transform_indices = #map}, {transform_indices = #map1}]} {
    %mul3A = arith.constant 16 : i32
    %mul3A_0 = arith.muli %arg0, %mul3A : i32
    %add3A = arith.addi %mul3A_0, %arg1 : i32
    %mul3A_1 = arith.constant 640 : i32
    %mul3A_2 = arith.muli %arg1, %mul3A_1 : i32
    "tpu.region"() ({
      %run_scoped3A = tpu.sem_alloc : memref<!tpu.dma_semaphore, #tpu.memory_space<semaphore_mem>>
      %dma_start3A_27 = arith.constant 0 : i32
      %dma_start3A_28 = tpu.memref_slice %arg11[%mul3A_2, %dma_start3A_27] : memref<10240x64xf32, #tpu.memory_space<vmem_shared>> -> memref<640x64xf32, #tpu.memory_space<vmem_shared>>
      tpu.enqueue_dma source(%arg5 : memref<640x64xf32, #tpu.memory_space<hbm>>) target(%dma_start3A_28 : memref<640x64xf32, #tpu.memory_space<vmem_shared>>) target_semaphore(%run_scoped3A : memref<!tpu.dma_semaphore, #tpu.memory_space<semaphore_mem>>)
      %dma_wait3A_29 = arith.constant 0 : i32
      %dma_wait3A_30 = tpu.memref_slice %arg11[%mul3A_2, %dma_wait3A_29] : memref<10240x64xf32, #tpu.memory_space<vmem_shared>> -> memref<640x64xf32, #tpu.memory_space<vmem_shared>>
      tpu.wait_dma2 semaphore(%run_scoped3A : memref<!tpu.dma_semaphore, #tpu.memory_space<semaphore_mem>>) src(%arg5 : memref<640x64xf32, #tpu.memory_space<hbm>>) dst(%dma_wait3A_30 : memref<640x64xf32, #tpu.memory_space<vmem_shared>>)
      tpu.yield
    }) : () -> ()
    "tpu.region"() ({
      %run_scoped3A = tpu.sem_alloc : memref<!tpu.dma_semaphore, #tpu.memory_space<semaphore_mem>>
      %dma_start3A_27 = arith.constant 0 : i32
      %dma_start3A_28 = arith.constant 0 : i32
      %dma_start3A_29 = tpu.memref_slice %arg3[%add3A, %dma_start3A_27, %dma_start3A_28] : memref<32x80x125xi32, #tpu.memory_space<hbm>> -> memref<1x80x125xi32, #tpu.memory_space<hbm>>
      %dma_start3A_30 = tpu.memref_squeeze %dma_start3A_29 : memref<1x80x125xi32, #tpu.memory_space<hbm>> -> memref<80x125xi32, #tpu.memory_space<hbm>>
      %dma_start3A_31 = arith.constant 0 : i32
      %dma_start3A_32 = arith.constant 0 : i32
      %dma_start3A_33 = tpu.memref_slice %arg3[%add3A, %dma_start3A_31, %dma_start3A_32] : memref<32x80x125xi32, #tpu.memory_space<hbm>> -> memref<1x80x125xi32, #tpu.memory_space<hbm>>
      %dma_start3A_34 = tpu.memref_squeeze %dma_start3A_33 : memref<1x80x125xi32, #tpu.memory_space<hbm>> -> memref<80x125xi32, #tpu.memory_space<hbm>>
      tpu.enqueue_dma source(%dma_start3A_34 : memref<80x125xi32, #tpu.memory_space<hbm>>) target(%arg7 : memref<80x125xi32, #tpu.memory_space<vmem>>) target_semaphore(%run_scoped3A : memref<!tpu.dma_semaphore, #tpu.memory_space<semaphore_mem>>)
      %dma_wait3A_35 = arith.constant 0 : i32
      %dma_wait3A_36 = arith.constant 0 : i32
      %dma_wait3A_37 = tpu.memref_slice %arg3[%add3A, %dma_wait3A_35, %dma_wait3A_36] : memref<32x80x125xi32, #tpu.memory_space<hbm>> -> memref<1x80x125xi32, #tpu.memory_space<hbm>>
      %dma_wait3A_38 = tpu.memref_squeeze %dma_wait3A_37 : memref<1x80x125xi32, #tpu.memory_space<hbm>> -> memref<80x125xi32, #tpu.memory_space<hbm>>
      %dma_wait3A_39 = arith.constant 0 : i32
      %dma_wait3A_40 = arith.constant 0 : i32
      %dma_wait3A_41 = tpu.memref_slice %arg3[%add3A, %dma_wait3A_39, %dma_wait3A_40] : memref<32x80x125xi32, #tpu.memory_space<hbm>> -> memref<1x80x125xi32, #tpu.memory_space<hbm>>
      %dma_wait3A_42 = tpu.memref_squeeze %dma_wait3A_41 : memref<1x80x125xi32, #tpu.memory_space<hbm>> -> memref<80x125xi32, #tpu.memory_space<hbm>>
      tpu.wait_dma2 semaphore(%run_scoped3A : memref<!tpu.dma_semaphore, #tpu.memory_space<semaphore_mem>>) src(%dma_wait3A_42 : memref<80x125xi32, #tpu.memory_space<hbm>>) dst(%arg7 : memref<80x125xi32, #tpu.memory_space<vmem>>)
      tpu.yield
    }) : () -> ()
    "tpu.region"() ({
      %run_scoped3A = tpu.sem_alloc : memref<!tpu.dma_semaphore, #tpu.memory_space<semaphore_mem>>
      %dma_start3A_27 = arith.constant 0 : i32
      %dma_start3A_28 = arith.constant 0 : i32
      %dma_start3A_29 = tpu.memref_slice %arg4[%add3A, %dma_start3A_27, %dma_start3A_28] : memref<32x80x125xi32, #tpu.memory_space<hbm>> -> memref<1x80x125xi32, #tpu.memory_space<hbm>>
      %dma_start3A_30 = tpu.memref_squeeze %dma_start3A_29 : memref<1x80x125xi32, #tpu.memory_space<hbm>> -> memref<80x125xi32, #tpu.memory_space<hbm>>
      %dma_start3A_31 = arith.constant 0 : i32
      %dma_start3A_32 = arith.constant 0 : i32
      %dma_start3A_33 = tpu.memref_slice %arg4[%add3A, %dma_start3A_31, %dma_start3A_32] : memref<32x80x125xi32, #tpu.memory_space<hbm>> -> memref<1x80x125xi32, #tpu.memory_space<hbm>>
      %dma_start3A_34 = tpu.memref_squeeze %dma_start3A_33 : memref<1x80x125xi32, #tpu.memory_space<hbm>> -> memref<80x125xi32, #tpu.memory_space<hbm>>
      tpu.enqueue_dma source(%dma_start3A_34 : memref<80x125xi32, #tpu.memory_space<hbm>>) target(%arg8 : memref<80x125xi32, #tpu.memory_space<vmem>>) target_semaphore(%run_scoped3A : memref<!tpu.dma_semaphore, #tpu.memory_space<semaphore_mem>>)
      %dma_wait3A_35 = arith.constant 0 : i32
      %dma_wait3A_36 = arith.constant 0 : i32
      %dma_wait3A_37 = tpu.memref_slice %arg4[%add3A, %dma_wait3A_35, %dma_wait3A_36] : memref<32x80x125xi32, #tpu.memory_space<hbm>> -> memref<1x80x125xi32, #tpu.memory_space<hbm>>
      %dma_wait3A_38 = tpu.memref_squeeze %dma_wait3A_37 : memref<1x80x125xi32, #tpu.memory_space<hbm>> -> memref<80x125xi32, #tpu.memory_space<hbm>>
      %dma_wait3A_39 = arith.constant 0 : i32
      %dma_wait3A_40 = arith.constant 0 : i32
      %dma_wait3A_41 = tpu.memref_slice %arg4[%add3A, %dma_wait3A_39, %dma_wait3A_40] : memref<32x80x125xi32, #tpu.memory_space<hbm>> -> memref<1x80x125xi32, #tpu.memory_space<hbm>>
      %dma_wait3A_42 = tpu.memref_squeeze %dma_wait3A_41 : memref<1x80x125xi32, #tpu.memory_space<hbm>> -> memref<80x125xi32, #tpu.memory_space<hbm>>
      tpu.wait_dma2 semaphore(%run_scoped3A : memref<!tpu.dma_semaphore, #tpu.memory_space<semaphore_mem>>) src(%dma_wait3A_42 : memref<80x125xi32, #tpu.memory_space<hbm>>) dst(%arg8 : memref<80x125xi32, #tpu.memory_space<vmem>>)
      tpu.yield
    }) : () -> ()
    "tpu.region"() ({
      %run_scoped3A = tpu.sem_alloc : memref<!tpu.dma_semaphore, #tpu.memory_space<semaphore_mem>>
      %dma_start3A_27 = arith.constant 0 : i32
      %dma_start3A_28 = tpu.memref_slice %arg12[%mul3A_2, %dma_start3A_27] : memref<10240x64xf32, #tpu.memory_space<vmem_shared>> -> memref<640x64xf32, #tpu.memory_space<vmem_shared>>
      %dma_start3A_29 = arith.constant 0 : i32
      %dma_start3A_30 = tpu.memref_slice %arg2[%mul3A_2, %dma_start3A_29] : memref<10240x64xf32, #tpu.memory_space<hbm>> -> memref<640x64xf32, #tpu.memory_space<hbm>>
      tpu.enqueue_dma source(%dma_start3A_30 : memref<640x64xf32, #tpu.memory_space<hbm>>) target(%dma_start3A_28 : memref<640x64xf32, #tpu.memory_space<vmem_shared>>) target_semaphore(%run_scoped3A : memref<!tpu.dma_semaphore, #tpu.memory_space<semaphore_mem>>)
      %dma_wait3A_31 = arith.constant 0 : i32
      %dma_wait3A_32 = tpu.memref_slice %arg12[%mul3A_2, %dma_wait3A_31] : memref<10240x64xf32, #tpu.memory_space<vmem_shared>> -> memref<640x64xf32, #tpu.memory_space<vmem_shared>>
      %dma_wait3A_33 = arith.constant 0 : i32
      %dma_wait3A_34 = tpu.memref_slice %arg2[%mul3A_2, %dma_wait3A_33] : memref<10240x64xf32, #tpu.memory_space<hbm>> -> memref<640x64xf32, #tpu.memory_space<hbm>>
      tpu.wait_dma2 semaphore(%run_scoped3A : memref<!tpu.dma_semaphore, #tpu.memory_space<semaphore_mem>>) src(%dma_wait3A_34 : memref<640x64xf32, #tpu.memory_space<hbm>>) dst(%dma_wait3A_32 : memref<640x64xf32, #tpu.memory_space<vmem_shared>>)
      tpu.yield
    }) : () -> ()
    %barrier3A = arith.constant 0 : index
    tpu.barrier barrier_id(%barrier3A)
    %dma_start3A = arith.constant 0 : i32
    %dma_start3A_3 = arith.constant 0 : i32
    %dma_start3A_4 = arith.constant 0 : i32
    %dma_start3A_5 = tpu.memref_slice %arg9[%dma_start3A_3, %dma_start3A_4] : memref<125x64xf32, #tpu.memory_space<vmem>> -> memref<125x64xf32, #tpu.memory_space<vmem>>
    %dma_start3A_6 = arith.constant 0 : i32
    %dma_start3A_7 = tpu.memref_slice %arg7[%dma_start3A, %dma_start3A_6] : memref<80x125xi32, #tpu.memory_space<vmem>> -> memref<1x125xi32, #tpu.memory_space<vmem>>
    %dma_start3A_8 = tpu.memref_squeeze %dma_start3A_7 : memref<1x125xi32, #tpu.memory_space<vmem>> -> memref<125xi32, #tpu.memory_space<vmem>>
    %dma_start3A_9 = arith.constant 0 : i32
    %dma_start3A_10 = arith.constant 0 : i32
    %dma_start3A_11 = tpu.memref_slice %arg12[%dma_start3A_9, %dma_start3A_10] : memref<10240x64xf32, #tpu.memory_space<vmem_shared>> -> memref<10240x64xf32, #tpu.memory_space<vmem_shared>>
    tpu.enqueue_indirect_dma source(%dma_start3A_11 : memref<10240x64xf32, #tpu.memory_space<vmem_shared>>) target(%dma_start3A_5 : memref<125x64xf32, #tpu.memory_space<vmem>>) offsets(%dma_start3A_8 : memref<125xi32, #tpu.memory_space<vmem>>) semaphore(%arg13 : memref<!tpu.dma_semaphore, #tpu.memory_space<semaphore_mem>>)
    %scan3A = arith.constant 0 : i32
    %scan3A_12 = arith.constant 0 : i32
    %scan3A_13 = arith.constant 40 : i32
    %scan3A_14 = arith.addi %scan3A_12, %scan3A_13 : i32
    %scan3A_15 = arith.constant 1 : i32
    scf.for %scan3A_27 = %scan3A_12 to %scan3A_14 step %scan3A_15  : i32 {
      %mul3A_28 = arith.constant 2 : i32
      %mul3A_29 = arith.muli %mul3A_28, %scan3A_27 : i32
      %add3A_30 = arith.constant 1 : i32
      %add3A_31 = arith.addi %mul3A_29, %add3A_30 : i32
      %add3A_32 = arith.constant 2 : i32
      %add3A_33 = arith.addi %mul3A_29, %add3A_32 : i32
      %min3A = arith.constant 79 : i32
      %min3A_34 = arith.minsi %add3A_33, %min3A : i32
      %dma_wait3A_35 = arith.constant 0 : i32
      %dma_wait3A_36 = arith.constant 0 : i32
      %dma_wait3A_37 = tpu.memref_slice %arg9[%dma_wait3A_35, %dma_wait3A_36] : memref<125x64xf32, #tpu.memory_space<vmem>> -> memref<125x64xf32, #tpu.memory_space<vmem>>
      %dma_wait3A_38 = arith.constant 0 : i32
      %dma_wait3A_39 = tpu.memref_slice %arg7[%mul3A_29, %dma_wait3A_38] : memref<80x125xi32, #tpu.memory_space<vmem>> -> memref<1x125xi32, #tpu.memory_space<vmem>>
      %dma_wait3A_40 = tpu.memref_squeeze %dma_wait3A_39 : memref<1x125xi32, #tpu.memory_space<vmem>> -> memref<125xi32, #tpu.memory_space<vmem>>
      %dma_wait3A_41 = arith.constant 0 : i32
      %dma_wait3A_42 = arith.constant 0 : i32
      %dma_wait3A_43 = tpu.memref_slice %arg12[%dma_wait3A_41, %dma_wait3A_42] : memref<10240x64xf32, #tpu.memory_space<vmem_shared>> -> memref<10240x64xf32, #tpu.memory_space<vmem_shared>>
      tpu.wait_indirect_dma semaphore(%arg13 : memref<!tpu.dma_semaphore, #tpu.memory_space<semaphore_mem>>) src(%dma_wait3A_43 : memref<10240x64xf32, #tpu.memory_space<vmem_shared>>) dst(%dma_wait3A_37 : memref<125x64xf32, #tpu.memory_space<vmem>>)
      %dma_start3A_44 = arith.constant 0 : i32
      %dma_start3A_45 = arith.constant 0 : i32
      %dma_start3A_46 = tpu.memref_slice %arg10[%dma_start3A_44, %dma_start3A_45] : memref<125x64xf32, #tpu.memory_space<vmem>> -> memref<125x64xf32, #tpu.memory_space<vmem>>
      %dma_start3A_47 = arith.constant 0 : i32
      %dma_start3A_48 = tpu.memref_slice %arg7[%add3A_31, %dma_start3A_47] : memref<80x125xi32, #tpu.memory_space<vmem>> -> memref<1x125xi32, #tpu.memory_space<vmem>>
      %dma_start3A_49 = tpu.memref_squeeze %dma_start3A_48 : memref<1x125xi32, #tpu.memory_space<vmem>> -> memref<125xi32, #tpu.memory_space<vmem>>
      %dma_start3A_50 = arith.constant 0 : i32
      %dma_start3A_51 = arith.constant 0 : i32
      %dma_start3A_52 = tpu.memref_slice %arg12[%dma_start3A_50, %dma_start3A_51] : memref<10240x64xf32, #tpu.memory_space<vmem_shared>> -> memref<10240x64xf32, #tpu.memory_space<vmem_shared>>
      tpu.enqueue_indirect_dma source(%dma_start3A_52 : memref<10240x64xf32, #tpu.memory_space<vmem_shared>>) target(%dma_start3A_46 : memref<125x64xf32, #tpu.memory_space<vmem>>) offsets(%dma_start3A_49 : memref<125xi32, #tpu.memory_space<vmem>>) semaphore(%arg14 : memref<!tpu.dma_semaphore, #tpu.memory_space<semaphore_mem>>)
      "tpu.region"() ({
        %run_scoped3A = tpu.sem_alloc : memref<!tpu.dma_semaphore, #tpu.memory_space<semaphore_mem>>
        %dma_start3A_71 = arith.constant 0 : i32
        %dma_start3A_72 = arith.constant 0 : i32
        %dma_start3A_73 = tpu.memref_slice %arg9[%dma_start3A_71, %dma_start3A_72] : memref<125x64xf32, #tpu.memory_space<vmem>> -> memref<125x64xf32, #tpu.memory_space<vmem>>
        %dma_start3A_74 = arith.constant 0 : i32
        %dma_start3A_75 = tpu.memref_slice %arg8[%mul3A_29, %dma_start3A_74] : memref<80x125xi32, #tpu.memory_space<vmem>> -> memref<1x125xi32, #tpu.memory_space<vmem>>
        %dma_start3A_76 = tpu.memref_squeeze %dma_start3A_75 : memref<1x125xi32, #tpu.memory_space<vmem>> -> memref<125xi32, #tpu.memory_space<vmem>>
        %dma_start3A_77 = arith.constant 0 : i32
        %dma_start3A_78 = arith.constant 0 : i32
        %dma_start3A_79 = tpu.memref_slice %arg11[%dma_start3A_77, %dma_start3A_78] : memref<10240x64xf32, #tpu.memory_space<vmem_shared>> -> memref<10240x64xf32, #tpu.memory_space<vmem_shared>>
        tpu.enqueue_indirect_dma source(%dma_start3A_73 : memref<125x64xf32, #tpu.memory_space<vmem>>) target(%dma_start3A_79 : memref<10240x64xf32, #tpu.memory_space<vmem_shared>>) offsets(%dma_start3A_76 : memref<125xi32, #tpu.memory_space<vmem>>) semaphore(%run_scoped3A : memref<!tpu.dma_semaphore, #tpu.memory_space<semaphore_mem>>) {add = true}
        %dma_wait3A_80 = arith.constant 0 : i32
        %dma_wait3A_81 = arith.constant 0 : i32
        %dma_wait3A_82 = tpu.memref_slice %arg9[%dma_wait3A_80, %dma_wait3A_81] : memref<125x64xf32, #tpu.memory_space<vmem>> -> memref<125x64xf32, #tpu.memory_space<vmem>>
        %dma_wait3A_83 = arith.constant 0 : i32
        %dma_wait3A_84 = tpu.memref_slice %arg8[%mul3A_29, %dma_wait3A_83] : memref<80x125xi32, #tpu.memory_space<vmem>> -> memref<1x125xi32, #tpu.memory_space<vmem>>
        %dma_wait3A_85 = tpu.memref_squeeze %dma_wait3A_84 : memref<1x125xi32, #tpu.memory_space<vmem>> -> memref<125xi32, #tpu.memory_space<vmem>>
        %dma_wait3A_86 = arith.constant 0 : i32
        %dma_wait3A_87 = arith.constant 0 : i32
        %dma_wait3A_88 = tpu.memref_slice %arg11[%dma_wait3A_86, %dma_wait3A_87] : memref<10240x64xf32, #tpu.memory_space<vmem_shared>> -> memref<10240x64xf32, #tpu.memory_space<vmem_shared>>
        tpu.wait_indirect_dma semaphore(%run_scoped3A : memref<!tpu.dma_semaphore, #tpu.memory_space<semaphore_mem>>) src(%dma_wait3A_82 : memref<125x64xf32, #tpu.memory_space<vmem>>) dst(%dma_wait3A_88 : memref<10240x64xf32, #tpu.memory_space<vmem_shared>>)
        tpu.yield
      }) : () -> ()
      %dma_wait3A_53 = arith.constant 0 : i32
      %dma_wait3A_54 = arith.constant 0 : i32
      %dma_wait3A_55 = tpu.memref_slice %arg10[%dma_wait3A_53, %dma_wait3A_54] : memref<125x64xf32, #tpu.memory_space<vmem>> -> memref<125x64xf32, #tpu.memory_space<vmem>>
      %dma_wait3A_56 = arith.constant 0 : i32
      %dma_wait3A_57 = tpu.memref_slice %arg7[%add3A_31, %dma_wait3A_56] : memref<80x125xi32, #tpu.memory_space<vmem>> -> memref<1x125xi32, #tpu.memory_space<vmem>>
      %dma_wait3A_58 = tpu.memref_squeeze %dma_wait3A_57 : memref<1x125xi32, #tpu.memory_space<vmem>> -> memref<125xi32, #tpu.memory_space<vmem>>
      %dma_wait3A_59 = arith.constant 0 : i32
      %dma_wait3A_60 = arith.constant 0 : i32
      %dma_wait3A_61 = tpu.memref_slice %arg12[%dma_wait3A_59, %dma_wait3A_60] : memref<10240x64xf32, #tpu.memory_space<vmem_shared>> -> memref<10240x64xf32, #tpu.memory_space<vmem_shared>>
      tpu.wait_indirect_dma semaphore(%arg14 : memref<!tpu.dma_semaphore, #tpu.memory_space<semaphore_mem>>) src(%dma_wait3A_61 : memref<10240x64xf32, #tpu.memory_space<vmem_shared>>) dst(%dma_wait3A_55 : memref<125x64xf32, #tpu.memory_space<vmem>>)
      %dma_start3A_62 = arith.constant 0 : i32
      %dma_start3A_63 = arith.constant 0 : i32
      %dma_start3A_64 = tpu.memref_slice %arg9[%dma_start3A_62, %dma_start3A_63] : memref<125x64xf32, #tpu.memory_space<vmem>> -> memref<125x64xf32, #tpu.memory_space<vmem>>
      %dma_start3A_65 = arith.constant 0 : i32
      %dma_start3A_66 = tpu.memref_slice %arg7[%min3A_34, %dma_start3A_65] : memref<80x125xi32, #tpu.memory_space<vmem>> -> memref<1x125xi32, #tpu.memory_space<vmem>>
      %dma_start3A_67 = tpu.memref_squeeze %dma_start3A_66 : memref<1x125xi32, #tpu.memory_space<vmem>> -> memref<125xi32, #tpu.memory_space<vmem>>
      %dma_start3A_68 = arith.constant 0 : i32
      %dma_start3A_69 = arith.constant 0 : i32
      %dma_start3A_70 = tpu.memref_slice %arg12[%dma_start3A_68, %dma_start3A_69] : memref<10240x64xf32, #tpu.memory_space<vmem_shared>> -> memref<10240x64xf32, #tpu.memory_space<vmem_shared>>
      tpu.enqueue_indirect_dma source(%dma_start3A_70 : memref<10240x64xf32, #tpu.memory_space<vmem_shared>>) target(%dma_start3A_64 : memref<125x64xf32, #tpu.memory_space<vmem>>) offsets(%dma_start3A_67 : memref<125xi32, #tpu.memory_space<vmem>>) semaphore(%arg13 : memref<!tpu.dma_semaphore, #tpu.memory_space<semaphore_mem>>)
      "tpu.region"() ({
        %run_scoped3A = tpu.sem_alloc : memref<!tpu.dma_semaphore, #tpu.memory_space<semaphore_mem>>
        %dma_start3A_71 = arith.constant 0 : i32
        %dma_start3A_72 = arith.constant 0 : i32
        %dma_start3A_73 = tpu.memref_slice %arg10[%dma_start3A_71, %dma_start3A_72] : memref<125x64xf32, #tpu.memory_space<vmem>> -> memref<125x64xf32, #tpu.memory_space<vmem>>
        %dma_start3A_74 = arith.constant 0 : i32
        %dma_start3A_75 = tpu.memref_slice %arg8[%add3A_31, %dma_start3A_74] : memref<80x125xi32, #tpu.memory_space<vmem>> -> memref<1x125xi32, #tpu.memory_space<vmem>>
        %dma_start3A_76 = tpu.memref_squeeze %dma_start3A_75 : memref<1x125xi32, #tpu.memory_space<vmem>> -> memref<125xi32, #tpu.memory_space<vmem>>
        %dma_start3A_77 = arith.constant 0 : i32
        %dma_start3A_78 = arith.constant 0 : i32
        %dma_start3A_79 = tpu.memref_slice %arg11[%dma_start3A_77, %dma_start3A_78] : memref<10240x64xf32, #tpu.memory_space<vmem_shared>> -> memref<10240x64xf32, #tpu.memory_space<vmem_shared>>
        tpu.enqueue_indirect_dma source(%dma_start3A_73 : memref<125x64xf32, #tpu.memory_space<vmem>>) target(%dma_start3A_79 : memref<10240x64xf32, #tpu.memory_space<vmem_shared>>) offsets(%dma_start3A_76 : memref<125xi32, #tpu.memory_space<vmem>>) semaphore(%run_scoped3A : memref<!tpu.dma_semaphore, #tpu.memory_space<semaphore_mem>>) {add = true}
        %dma_wait3A_80 = arith.constant 0 : i32
        %dma_wait3A_81 = arith.constant 0 : i32
        %dma_wait3A_82 = tpu.memref_slice %arg10[%dma_wait3A_80, %dma_wait3A_81] : memref<125x64xf32, #tpu.memory_space<vmem>> -> memref<125x64xf32, #tpu.memory_space<vmem>>
        %dma_wait3A_83 = arith.constant 0 : i32
        %dma_wait3A_84 = tpu.memref_slice %arg8[%add3A_31, %dma_wait3A_83] : memref<80x125xi32, #tpu.memory_space<vmem>> -> memref<1x125xi32, #tpu.memory_space<vmem>>
        %dma_wait3A_85 = tpu.memref_squeeze %dma_wait3A_84 : memref<1x125xi32, #tpu.memory_space<vmem>> -> memref<125xi32, #tpu.memory_space<vmem>>
        %dma_wait3A_86 = arith.constant 0 : i32
        %dma_wait3A_87 = arith.constant 0 : i32
        %dma_wait3A_88 = tpu.memref_slice %arg11[%dma_wait3A_86, %dma_wait3A_87] : memref<10240x64xf32, #tpu.memory_space<vmem_shared>> -> memref<10240x64xf32, #tpu.memory_space<vmem_shared>>
        tpu.wait_indirect_dma semaphore(%run_scoped3A : memref<!tpu.dma_semaphore, #tpu.memory_space<semaphore_mem>>) src(%dma_wait3A_82 : memref<125x64xf32, #tpu.memory_space<vmem>>) dst(%dma_wait3A_88 : memref<10240x64xf32, #tpu.memory_space<vmem_shared>>)
        tpu.yield
      }) : () -> ()
    }
    %scan3A_16 = arith.constant 40 : i32
    %dma_wait3A = arith.constant 79 : i32
    %dma_wait3A_17 = arith.constant 0 : i32
    %dma_wait3A_18 = arith.constant 0 : i32
    %dma_wait3A_19 = tpu.memref_slice %arg9[%dma_wait3A_17, %dma_wait3A_18] : memref<125x64xf32, #tpu.memory_space<vmem>> -> memref<125x64xf32, #tpu.memory_space<vmem>>
    %dma_wait3A_20 = arith.constant 0 : i32
    %dma_wait3A_21 = tpu.memref_slice %arg7[%dma_wait3A, %dma_wait3A_20] : memref<80x125xi32, #tpu.memory_space<vmem>> -> memref<1x125xi32, #tpu.memory_space<vmem>>
    %dma_wait3A_22 = tpu.memref_squeeze %dma_wait3A_21 : memref<1x125xi32, #tpu.memory_space<vmem>> -> memref<125xi32, #tpu.memory_space<vmem>>
    %dma_wait3A_23 = arith.constant 0 : i32
    %dma_wait3A_24 = arith.constant 0 : i32
    %dma_wait3A_25 = tpu.memref_slice %arg12[%dma_wait3A_23, %dma_wait3A_24] : memref<10240x64xf32, #tpu.memory_space<vmem_shared>> -> memref<10240x64xf32, #tpu.memory_space<vmem_shared>>
    tpu.wait_indirect_dma semaphore(%arg13 : memref<!tpu.dma_semaphore, #tpu.memory_space<semaphore_mem>>) src(%dma_wait3A_25 : memref<10240x64xf32, #tpu.memory_space<vmem_shared>>) dst(%dma_wait3A_19 : memref<125x64xf32, #tpu.memory_space<vmem>>)
    %barrier3A_26 = arith.constant 0 : index
    tpu.barrier barrier_id(%barrier3A_26)
    "tpu.region"() ({
      %run_scoped3A = tpu.sem_alloc : memref<!tpu.dma_semaphore, #tpu.memory_space<semaphore_mem>>
      %dma_start3A_27 = arith.constant 0 : i32
      %dma_start3A_28 = tpu.memref_slice %arg6[%arg0, %mul3A_2, %dma_start3A_27] : memref<2x10240x64xf32, #tpu.memory_space<hbm>> -> memref<1x640x64xf32, #tpu.memory_space<hbm>>
      %dma_start3A_29 = tpu.memref_squeeze %dma_start3A_28 : memref<1x640x64xf32, #tpu.memory_space<hbm>> -> memref<640x64xf32, #tpu.memory_space<hbm>>
      %dma_start3A_30 = arith.constant 0 : i32
      %dma_start3A_31 = tpu.memref_slice %arg11[%mul3A_2, %dma_start3A_30] : memref<10240x64xf32, #tpu.memory_space<vmem_shared>> -> memref<640x64xf32, #tpu.memory_space<vmem_shared>>
      tpu.enqueue_dma source(%dma_start3A_31 : memref<640x64xf32, #tpu.memory_space<vmem_shared>>) target(%dma_start3A_29 : memref<640x64xf32, #tpu.memory_space<hbm>>) target_semaphore(%run_scoped3A : memref<!tpu.dma_semaphore, #tpu.memory_space<semaphore_mem>>)
      %dma_wait3A_32 = arith.constant 0 : i32
      %dma_wait3A_33 = tpu.memref_slice %arg6[%arg0, %mul3A_2, %dma_wait3A_32] : memref<2x10240x64xf32, #tpu.memory_space<hbm>> -> memref<1x640x64xf32, #tpu.memory_space<hbm>>
      %dma_wait3A_34 = tpu.memref_squeeze %dma_wait3A_33 : memref<1x640x64xf32, #tpu.memory_space<hbm>> -> memref<640x64xf32, #tpu.memory_space<hbm>>
      %dma_wait3A_35 = arith.constant 0 : i32
      %dma_wait3A_36 = tpu.memref_slice %arg11[%mul3A_2, %dma_wait3A_35] : memref<10240x64xf32, #tpu.memory_space<vmem_shared>> -> memref<640x64xf32, #tpu.memory_space<vmem_shared>>
      tpu.wait_dma2 semaphore(%run_scoped3A : memref<!tpu.dma_semaphore, #tpu.memory_space<semaphore_mem>>) src(%dma_wait3A_36 : memref<640x64xf32, #tpu.memory_space<vmem_shared>>) dst(%dma_wait3A_34 : memref<640x64xf32, #tpu.memory_space<hbm>>)
      tpu.yield
    }) : () -> ()
    return
  }
}

#map = affine_map<(d0, d1) -> (0, 0, 0)>
#map1 = affine_map<(d0, d1) -> (0, 0)>
module attributes {stable_mosaic.version = 14 : i64} {
  func.func @_deg_body(%arg0: i32, %arg1: i32, %arg2: memref<32x80x125xi32, #tpu.memory_space<hbm>>, %arg3: memref<640x8xf32, #tpu.memory_space<hbm>>, %arg4: memref<125x8xf32, #tpu.memory_space<hbm>>, %arg5: memref<2x10240x8xf32, #tpu.memory_space<hbm>>, %arg6: memref<80x125xi32, #tpu.memory_space<vmem>>, %arg7: memref<125x8xf32, #tpu.memory_space<vmem>>, %arg8: memref<10240x8xf32, #tpu.memory_space<vmem_shared>>, %arg9: memref<!tpu.dma_semaphore, #tpu.memory_space<semaphore_mem>>) attributes {dimension_semantics = [#tpu.dimension_semantics<core_parallel>, #tpu.dimension_semantics<subcore_parallel>], iteration_bounds = array<i64: 2, 16>, scalar_prefetch = 0 : i64, scratch_operands = 4 : i64, tpu.core_type = #tpu.core_type<sc_vector_subcore>, window_params = [{transform_indices = #map}, {transform_indices = #map1}, {transform_indices = #map1}, {transform_indices = #map}]} {
    %mul3A = arith.constant 16 : i32
    %mul3A_0 = arith.muli %arg0, %mul3A : i32
    %add3A = arith.addi %mul3A_0, %arg1 : i32
    %mul3A_1 = arith.constant 640 : i32
    %mul3A_2 = arith.muli %arg1, %mul3A_1 : i32
    "tpu.region"() ({
      %run_scoped3A = tpu.sem_alloc : memref<!tpu.dma_semaphore, #tpu.memory_space<semaphore_mem>>
      %dma_start3A = arith.constant 0 : i32
      %dma_start3A_13 = tpu.memref_slice %arg8[%mul3A_2, %dma_start3A] : memref<10240x8xf32, #tpu.memory_space<vmem_shared>> -> memref<640x8xf32, #tpu.memory_space<vmem_shared>>
      tpu.enqueue_dma source(%arg3 : memref<640x8xf32, #tpu.memory_space<hbm>>) target(%dma_start3A_13 : memref<640x8xf32, #tpu.memory_space<vmem_shared>>) target_semaphore(%run_scoped3A : memref<!tpu.dma_semaphore, #tpu.memory_space<semaphore_mem>>)
      %dma_wait3A = arith.constant 0 : i32
      %dma_wait3A_14 = tpu.memref_slice %arg8[%mul3A_2, %dma_wait3A] : memref<10240x8xf32, #tpu.memory_space<vmem_shared>> -> memref<640x8xf32, #tpu.memory_space<vmem_shared>>
      tpu.wait_dma2 semaphore(%run_scoped3A : memref<!tpu.dma_semaphore, #tpu.memory_space<semaphore_mem>>) src(%arg3 : memref<640x8xf32, #tpu.memory_space<hbm>>) dst(%dma_wait3A_14 : memref<640x8xf32, #tpu.memory_space<vmem_shared>>)
      tpu.yield
    }) : () -> ()
    "tpu.region"() ({
      %run_scoped3A = tpu.sem_alloc : memref<!tpu.dma_semaphore, #tpu.memory_space<semaphore_mem>>
      %dma_start3A = arith.constant 0 : i32
      %dma_start3A_13 = arith.constant 0 : i32
      %dma_start3A_14 = tpu.memref_slice %arg2[%add3A, %dma_start3A, %dma_start3A_13] : memref<32x80x125xi32, #tpu.memory_space<hbm>> -> memref<1x80x125xi32, #tpu.memory_space<hbm>>
      %dma_start3A_15 = tpu.memref_squeeze %dma_start3A_14 : memref<1x80x125xi32, #tpu.memory_space<hbm>> -> memref<80x125xi32, #tpu.memory_space<hbm>>
      %dma_start3A_16 = arith.constant 0 : i32
      %dma_start3A_17 = arith.constant 0 : i32
      %dma_start3A_18 = tpu.memref_slice %arg2[%add3A, %dma_start3A_16, %dma_start3A_17] : memref<32x80x125xi32, #tpu.memory_space<hbm>> -> memref<1x80x125xi32, #tpu.memory_space<hbm>>
      %dma_start3A_19 = tpu.memref_squeeze %dma_start3A_18 : memref<1x80x125xi32, #tpu.memory_space<hbm>> -> memref<80x125xi32, #tpu.memory_space<hbm>>
      tpu.enqueue_dma source(%dma_start3A_19 : memref<80x125xi32, #tpu.memory_space<hbm>>) target(%arg6 : memref<80x125xi32, #tpu.memory_space<vmem>>) target_semaphore(%run_scoped3A : memref<!tpu.dma_semaphore, #tpu.memory_space<semaphore_mem>>)
      %dma_wait3A = arith.constant 0 : i32
      %dma_wait3A_20 = arith.constant 0 : i32
      %dma_wait3A_21 = tpu.memref_slice %arg2[%add3A, %dma_wait3A, %dma_wait3A_20] : memref<32x80x125xi32, #tpu.memory_space<hbm>> -> memref<1x80x125xi32, #tpu.memory_space<hbm>>
      %dma_wait3A_22 = tpu.memref_squeeze %dma_wait3A_21 : memref<1x80x125xi32, #tpu.memory_space<hbm>> -> memref<80x125xi32, #tpu.memory_space<hbm>>
      %dma_wait3A_23 = arith.constant 0 : i32
      %dma_wait3A_24 = arith.constant 0 : i32
      %dma_wait3A_25 = tpu.memref_slice %arg2[%add3A, %dma_wait3A_23, %dma_wait3A_24] : memref<32x80x125xi32, #tpu.memory_space<hbm>> -> memref<1x80x125xi32, #tpu.memory_space<hbm>>
      %dma_wait3A_26 = tpu.memref_squeeze %dma_wait3A_25 : memref<1x80x125xi32, #tpu.memory_space<hbm>> -> memref<80x125xi32, #tpu.memory_space<hbm>>
      tpu.wait_dma2 semaphore(%run_scoped3A : memref<!tpu.dma_semaphore, #tpu.memory_space<semaphore_mem>>) src(%dma_wait3A_26 : memref<80x125xi32, #tpu.memory_space<hbm>>) dst(%arg6 : memref<80x125xi32, #tpu.memory_space<vmem>>)
      tpu.yield
    }) : () -> ()
    "tpu.region"() ({
      %run_scoped3A = tpu.sem_alloc : memref<!tpu.dma_semaphore, #tpu.memory_space<semaphore_mem>>
      tpu.enqueue_dma source(%arg4 : memref<125x8xf32, #tpu.memory_space<hbm>>) target(%arg7 : memref<125x8xf32, #tpu.memory_space<vmem>>) target_semaphore(%run_scoped3A : memref<!tpu.dma_semaphore, #tpu.memory_space<semaphore_mem>>)
      tpu.wait_dma2 semaphore(%run_scoped3A : memref<!tpu.dma_semaphore, #tpu.memory_space<semaphore_mem>>) src(%arg4 : memref<125x8xf32, #tpu.memory_space<hbm>>) dst(%arg7 : memref<125x8xf32, #tpu.memory_space<vmem>>)
      tpu.yield
    }) : () -> ()
    %barrier3A = arith.constant 0 : index
    tpu.barrier barrier_id(%barrier3A)
    %scan3A = arith.constant 0 : i32
    %scan3A_3 = arith.constant 0 : i32
    %scan3A_4 = arith.constant 80 : i32
    %scan3A_5 = arith.addi %scan3A_3, %scan3A_4 : i32
    %scan3A_6 = arith.constant 4 : i32
    scf.for %scan3A_13 = %scan3A_3 to %scan3A_5 step %scan3A_6  : i32 {
      "tpu.region"() ({
        %run_scoped3A = tpu.sem_alloc : memref<!tpu.dma_semaphore, #tpu.memory_space<semaphore_mem>>
        %dma_start3A = arith.constant 0 : i32
        %dma_start3A_20 = tpu.memref_slice %arg6[%scan3A_13, %dma_start3A] : memref<80x125xi32, #tpu.memory_space<vmem>> -> memref<1x125xi32, #tpu.memory_space<vmem>>
        %dma_start3A_21 = tpu.memref_squeeze %dma_start3A_20 : memref<1x125xi32, #tpu.memory_space<vmem>> -> memref<125xi32, #tpu.memory_space<vmem>>
        %dma_start3A_22 = arith.constant 0 : i32
        %dma_start3A_23 = arith.constant 0 : i32
        %dma_start3A_24 = tpu.memref_slice %arg8[%dma_start3A_22, %dma_start3A_23] : memref<10240x8xf32, #tpu.memory_space<vmem_shared>> -> memref<10240x8xf32, #tpu.memory_space<vmem_shared>>
        tpu.enqueue_indirect_dma source(%arg7 : memref<125x8xf32, #tpu.memory_space<vmem>>) target(%dma_start3A_24 : memref<10240x8xf32, #tpu.memory_space<vmem_shared>>) offsets(%dma_start3A_21 : memref<125xi32, #tpu.memory_space<vmem>>) semaphore(%run_scoped3A : memref<!tpu.dma_semaphore, #tpu.memory_space<semaphore_mem>>) {add = true}
        %dma_wait3A = arith.constant 0 : i32
        %dma_wait3A_25 = tpu.memref_slice %arg6[%scan3A_13, %dma_wait3A] : memref<80x125xi32, #tpu.memory_space<vmem>> -> memref<1x125xi32, #tpu.memory_space<vmem>>
        %dma_wait3A_26 = tpu.memref_squeeze %dma_wait3A_25 : memref<1x125xi32, #tpu.memory_space<vmem>> -> memref<125xi32, #tpu.memory_space<vmem>>
        %dma_wait3A_27 = arith.constant 0 : i32
        %dma_wait3A_28 = arith.constant 0 : i32
        %dma_wait3A_29 = tpu.memref_slice %arg8[%dma_wait3A_27, %dma_wait3A_28] : memref<10240x8xf32, #tpu.memory_space<vmem_shared>> -> memref<10240x8xf32, #tpu.memory_space<vmem_shared>>
        tpu.wait_indirect_dma semaphore(%run_scoped3A : memref<!tpu.dma_semaphore, #tpu.memory_space<semaphore_mem>>) src(%arg7 : memref<125x8xf32, #tpu.memory_space<vmem>>) dst(%dma_wait3A_29 : memref<10240x8xf32, #tpu.memory_space<vmem_shared>>)
        tpu.yield
      }) : () -> ()
      %scan3A_14 = arith.constant 1 : i32
      %scan3A_15 = arith.addi %scan3A_13, %scan3A_14 : i32
      "tpu.region"() ({
        %run_scoped3A = tpu.sem_alloc : memref<!tpu.dma_semaphore, #tpu.memory_space<semaphore_mem>>
        %dma_start3A = arith.constant 0 : i32
        %dma_start3A_20 = tpu.memref_slice %arg6[%scan3A_15, %dma_start3A] : memref<80x125xi32, #tpu.memory_space<vmem>> -> memref<1x125xi32, #tpu.memory_space<vmem>>
        %dma_start3A_21 = tpu.memref_squeeze %dma_start3A_20 : memref<1x125xi32, #tpu.memory_space<vmem>> -> memref<125xi32, #tpu.memory_space<vmem>>
        %dma_start3A_22 = arith.constant 0 : i32
        %dma_start3A_23 = arith.constant 0 : i32
        %dma_start3A_24 = tpu.memref_slice %arg8[%dma_start3A_22, %dma_start3A_23] : memref<10240x8xf32, #tpu.memory_space<vmem_shared>> -> memref<10240x8xf32, #tpu.memory_space<vmem_shared>>
        tpu.enqueue_indirect_dma source(%arg7 : memref<125x8xf32, #tpu.memory_space<vmem>>) target(%dma_start3A_24 : memref<10240x8xf32, #tpu.memory_space<vmem_shared>>) offsets(%dma_start3A_21 : memref<125xi32, #tpu.memory_space<vmem>>) semaphore(%run_scoped3A : memref<!tpu.dma_semaphore, #tpu.memory_space<semaphore_mem>>) {add = true}
        %dma_wait3A = arith.constant 0 : i32
        %dma_wait3A_25 = tpu.memref_slice %arg6[%scan3A_15, %dma_wait3A] : memref<80x125xi32, #tpu.memory_space<vmem>> -> memref<1x125xi32, #tpu.memory_space<vmem>>
        %dma_wait3A_26 = tpu.memref_squeeze %dma_wait3A_25 : memref<1x125xi32, #tpu.memory_space<vmem>> -> memref<125xi32, #tpu.memory_space<vmem>>
        %dma_wait3A_27 = arith.constant 0 : i32
        %dma_wait3A_28 = arith.constant 0 : i32
        %dma_wait3A_29 = tpu.memref_slice %arg8[%dma_wait3A_27, %dma_wait3A_28] : memref<10240x8xf32, #tpu.memory_space<vmem_shared>> -> memref<10240x8xf32, #tpu.memory_space<vmem_shared>>
        tpu.wait_indirect_dma semaphore(%run_scoped3A : memref<!tpu.dma_semaphore, #tpu.memory_space<semaphore_mem>>) src(%arg7 : memref<125x8xf32, #tpu.memory_space<vmem>>) dst(%dma_wait3A_29 : memref<10240x8xf32, #tpu.memory_space<vmem_shared>>)
        tpu.yield
      }) : () -> ()
      %scan3A_16 = arith.constant 2 : i32
      %scan3A_17 = arith.addi %scan3A_13, %scan3A_16 : i32
      "tpu.region"() ({
        %run_scoped3A = tpu.sem_alloc : memref<!tpu.dma_semaphore, #tpu.memory_space<semaphore_mem>>
        %dma_start3A = arith.constant 0 : i32
        %dma_start3A_20 = tpu.memref_slice %arg6[%scan3A_17, %dma_start3A] : memref<80x125xi32, #tpu.memory_space<vmem>> -> memref<1x125xi32, #tpu.memory_space<vmem>>
        %dma_start3A_21 = tpu.memref_squeeze %dma_start3A_20 : memref<1x125xi32, #tpu.memory_space<vmem>> -> memref<125xi32, #tpu.memory_space<vmem>>
        %dma_start3A_22 = arith.constant 0 : i32
        %dma_start3A_23 = arith.constant 0 : i32
        %dma_start3A_24 = tpu.memref_slice %arg8[%dma_start3A_22, %dma_start3A_23] : memref<10240x8xf32, #tpu.memory_space<vmem_shared>> -> memref<10240x8xf32, #tpu.memory_space<vmem_shared>>
        tpu.enqueue_indirect_dma source(%arg7 : memref<125x8xf32, #tpu.memory_space<vmem>>) target(%dma_start3A_24 : memref<10240x8xf32, #tpu.memory_space<vmem_shared>>) offsets(%dma_start3A_21 : memref<125xi32, #tpu.memory_space<vmem>>) semaphore(%run_scoped3A : memref<!tpu.dma_semaphore, #tpu.memory_space<semaphore_mem>>) {add = true}
        %dma_wait3A = arith.constant 0 : i32
        %dma_wait3A_25 = tpu.memref_slice %arg6[%scan3A_17, %dma_wait3A] : memref<80x125xi32, #tpu.memory_space<vmem>> -> memref<1x125xi32, #tpu.memory_space<vmem>>
        %dma_wait3A_26 = tpu.memref_squeeze %dma_wait3A_25 : memref<1x125xi32, #tpu.memory_space<vmem>> -> memref<125xi32, #tpu.memory_space<vmem>>
        %dma_wait3A_27 = arith.constant 0 : i32
        %dma_wait3A_28 = arith.constant 0 : i32
        %dma_wait3A_29 = tpu.memref_slice %arg8[%dma_wait3A_27, %dma_wait3A_28] : memref<10240x8xf32, #tpu.memory_space<vmem_shared>> -> memref<10240x8xf32, #tpu.memory_space<vmem_shared>>
        tpu.wait_indirect_dma semaphore(%run_scoped3A : memref<!tpu.dma_semaphore, #tpu.memory_space<semaphore_mem>>) src(%arg7 : memref<125x8xf32, #tpu.memory_space<vmem>>) dst(%dma_wait3A_29 : memref<10240x8xf32, #tpu.memory_space<vmem_shared>>)
        tpu.yield
      }) : () -> ()
      %scan3A_18 = arith.constant 3 : i32
      %scan3A_19 = arith.addi %scan3A_13, %scan3A_18 : i32
      "tpu.region"() ({
        %run_scoped3A = tpu.sem_alloc : memref<!tpu.dma_semaphore, #tpu.memory_space<semaphore_mem>>
        %dma_start3A = arith.constant 0 : i32
        %dma_start3A_20 = tpu.memref_slice %arg6[%scan3A_19, %dma_start3A] : memref<80x125xi32, #tpu.memory_space<vmem>> -> memref<1x125xi32, #tpu.memory_space<vmem>>
        %dma_start3A_21 = tpu.memref_squeeze %dma_start3A_20 : memref<1x125xi32, #tpu.memory_space<vmem>> -> memref<125xi32, #tpu.memory_space<vmem>>
        %dma_start3A_22 = arith.constant 0 : i32
        %dma_start3A_23 = arith.constant 0 : i32
        %dma_start3A_24 = tpu.memref_slice %arg8[%dma_start3A_22, %dma_start3A_23] : memref<10240x8xf32, #tpu.memory_space<vmem_shared>> -> memref<10240x8xf32, #tpu.memory_space<vmem_shared>>
        tpu.enqueue_indirect_dma source(%arg7 : memref<125x8xf32, #tpu.memory_space<vmem>>) target(%dma_start3A_24 : memref<10240x8xf32, #tpu.memory_space<vmem_shared>>) offsets(%dma_start3A_21 : memref<125xi32, #tpu.memory_space<vmem>>) semaphore(%run_scoped3A : memref<!tpu.dma_semaphore, #tpu.memory_space<semaphore_mem>>) {add = true}
        %dma_wait3A = arith.constant 0 : i32
        %dma_wait3A_25 = tpu.memref_slice %arg6[%scan3A_19, %dma_wait3A] : memref<80x125xi32, #tpu.memory_space<vmem>> -> memref<1x125xi32, #tpu.memory_space<vmem>>
        %dma_wait3A_26 = tpu.memref_squeeze %dma_wait3A_25 : memref<1x125xi32, #tpu.memory_space<vmem>> -> memref<125xi32, #tpu.memory_space<vmem>>
        %dma_wait3A_27 = arith.constant 0 : i32
        %dma_wait3A_28 = arith.constant 0 : i32
        %dma_wait3A_29 = tpu.memref_slice %arg8[%dma_wait3A_27, %dma_wait3A_28] : memref<10240x8xf32, #tpu.memory_space<vmem_shared>> -> memref<10240x8xf32, #tpu.memory_space<vmem_shared>>
        tpu.wait_indirect_dma semaphore(%run_scoped3A : memref<!tpu.dma_semaphore, #tpu.memory_space<semaphore_mem>>) src(%arg7 : memref<125x8xf32, #tpu.memory_space<vmem>>) dst(%dma_wait3A_29 : memref<10240x8xf32, #tpu.memory_space<vmem_shared>>)
        tpu.yield
      }) : () -> ()
    }
    %scan3A_7 = arith.constant 80 : i32
    %barrier3A_8 = arith.constant 0 : index
    tpu.barrier barrier_id(%barrier3A_8)
    %mul3A_9 = arith.constant 640 : i32
    %mul3A_10 = arith.muli %arg1, %mul3A_9 : i32
    %mul3A_11 = arith.constant 640 : i32
    %mul3A_12 = arith.muli %arg1, %mul3A_11 : i32
    "tpu.region"() ({
      %run_scoped3A = tpu.sem_alloc : memref<!tpu.dma_semaphore, #tpu.memory_space<semaphore_mem>>
      %dma_start3A = arith.constant 0 : i32
      %dma_start3A_13 = tpu.memref_slice %arg5[%arg0, %mul3A_12, %dma_start3A] : memref<2x10240x8xf32, #tpu.memory_space<hbm>> -> memref<1x640x8xf32, #tpu.memory_space<hbm>>
      %dma_start3A_14 = tpu.memref_squeeze %dma_start3A_13 : memref<1x640x8xf32, #tpu.memory_space<hbm>> -> memref<640x8xf32, #tpu.memory_space<hbm>>
      %dma_start3A_15 = arith.constant 0 : i32
      %dma_start3A_16 = tpu.memref_slice %arg8[%mul3A_10, %dma_start3A_15] : memref<10240x8xf32, #tpu.memory_space<vmem_shared>> -> memref<640x8xf32, #tpu.memory_space<vmem_shared>>
      tpu.enqueue_dma source(%dma_start3A_16 : memref<640x8xf32, #tpu.memory_space<vmem_shared>>) target(%dma_start3A_14 : memref<640x8xf32, #tpu.memory_space<hbm>>) target_semaphore(%run_scoped3A : memref<!tpu.dma_semaphore, #tpu.memory_space<semaphore_mem>>)
      %dma_wait3A = arith.constant 0 : i32
      %dma_wait3A_17 = tpu.memref_slice %arg5[%arg0, %mul3A_12, %dma_wait3A] : memref<2x10240x8xf32, #tpu.memory_space<hbm>> -> memref<1x640x8xf32, #tpu.memory_space<hbm>>
      %dma_wait3A_18 = tpu.memref_squeeze %dma_wait3A_17 : memref<1x640x8xf32, #tpu.memory_space<hbm>> -> memref<640x8xf32, #tpu.memory_space<hbm>>
      %dma_wait3A_19 = arith.constant 0 : i32
      %dma_wait3A_20 = tpu.memref_slice %arg8[%mul3A_10, %dma_wait3A_19] : memref<10240x8xf32, #tpu.memory_space<vmem_shared>> -> memref<640x8xf32, #tpu.memory_space<vmem_shared>>
      tpu.wait_dma2 semaphore(%run_scoped3A : memref<!tpu.dma_semaphore, #tpu.memory_space<semaphore_mem>>) src(%dma_wait3A_20 : memref<640x8xf32, #tpu.memory_space<vmem_shared>>) dst(%dma_wait3A_18 : memref<640x8xf32, #tpu.memory_space<hbm>>)
      tpu.yield
    }) : () -> ()
    return
  }
}

#map = affine_map<(d0, d1) -> (0, 0)>
#map1 = affine_map<(d0, d1) -> (0, 0, 0)>
module attributes {stable_mosaic.version = 14 : i64} {
  func.func @_prop_body(%arg0: i32, %arg1: i32, %arg2: memref<10240x64xf32, #tpu.memory_space<hbm>>, %arg3: memref<32x80x125xi32, #tpu.memory_space<hbm>>, %arg4: memref<32x80x125xi32, #tpu.memory_space<hbm>>, %arg5: memref<640x64xf32, #tpu.memory_space<hbm>>, %arg6: memref<2x10240x64xf32, #tpu.memory_space<hbm>>, %arg7: memref<80x125xi32, #tpu.memory_space<vmem>>, %arg8: memref<80x125xi32, #tpu.memory_space<vmem>>, %arg9: memref<125x64xf32, #tpu.memory_space<vmem>>, %arg10: memref<125x64xf32, #tpu.memory_space<vmem>>, %arg11: memref<10240x64xf32, #tpu.memory_space<vmem_shared>>, %arg12: memref<10240x64xf32, #tpu.memory_space<vmem_shared>>, %arg13: memref<!tpu.dma_semaphore, #tpu.memory_space<semaphore_mem>>, %arg14: memref<!tpu.dma_semaphore, #tpu.memory_space<semaphore_mem>>) attributes {dimension_semantics = [#tpu.dimension_semantics<core_parallel>, #tpu.dimension_semantics<subcore_parallel>], iteration_bounds = array<i64: 2, 16>, scalar_prefetch = 0 : i64, scratch_operands = 8 : i64, tpu.core_type = #tpu.core_type<sc_vector_subcore>, window_params = [{transform_indices = #map}, {transform_indices = #map1}, {transform_indices = #map1}, {transform_indices = #map}, {transform_indices = #map1}]} {
    %mul3A = arith.constant 16 : i32
    %mul3A_0 = arith.muli %arg0, %mul3A : i32
    %add3A = arith.addi %mul3A_0, %arg1 : i32
    %mul3A_1 = arith.constant 640 : i32
    %mul3A_2 = arith.muli %arg1, %mul3A_1 : i32
    "tpu.region"() ({
      %run_scoped3A = tpu.sem_alloc : memref<!tpu.dma_semaphore, #tpu.memory_space<semaphore_mem>>
      %dma_start3A_27 = arith.constant 0 : i32
      %dma_start3A_28 = tpu.memref_slice %arg11[%mul3A_2, %dma_start3A_27] : memref<10240x64xf32, #tpu.memory_space<vmem_shared>> -> memref<640x64xf32, #tpu.memory_space<vmem_shared>>
      tpu.enqueue_dma source(%arg5 : memref<640x64xf32, #tpu.memory_space<hbm>>) target(%dma_start3A_28 : memref<640x64xf32, #tpu.memory_space<vmem_shared>>) target_semaphore(%run_scoped3A : memref<!tpu.dma_semaphore, #tpu.memory_space<semaphore_mem>>)
      %dma_wait3A_29 = arith.constant 0 : i32
      %dma_wait3A_30 = tpu.memref_slice %arg11[%mul3A_2, %dma_wait3A_29] : memref<10240x64xf32, #tpu.memory_space<vmem_shared>> -> memref<640x64xf32, #tpu.memory_space<vmem_shared>>
      tpu.wait_dma2 semaphore(%run_scoped3A : memref<!tpu.dma_semaphore, #tpu.memory_space<semaphore_mem>>) src(%arg5 : memref<640x64xf32, #tpu.memory_space<hbm>>) dst(%dma_wait3A_30 : memref<640x64xf32, #tpu.memory_space<vmem_shared>>)
      tpu.yield
    }) : () -> ()
    "tpu.region"() ({
      %run_scoped3A = tpu.sem_alloc : memref<!tpu.dma_semaphore, #tpu.memory_space<semaphore_mem>>
      %dma_start3A_27 = arith.constant 0 : i32
      %dma_start3A_28 = arith.constant 0 : i32
      %dma_start3A_29 = tpu.memref_slice %arg3[%add3A, %dma_start3A_27, %dma_start3A_28] : memref<32x80x125xi32, #tpu.memory_space<hbm>> -> memref<1x80x125xi32, #tpu.memory_space<hbm>>
      %dma_start3A_30 = tpu.memref_squeeze %dma_start3A_29 : memref<1x80x125xi32, #tpu.memory_space<hbm>> -> memref<80x125xi32, #tpu.memory_space<hbm>>
      %dma_start3A_31 = arith.constant 0 : i32
      %dma_start3A_32 = arith.constant 0 : i32
      %dma_start3A_33 = tpu.memref_slice %arg3[%add3A, %dma_start3A_31, %dma_start3A_32] : memref<32x80x125xi32, #tpu.memory_space<hbm>> -> memref<1x80x125xi32, #tpu.memory_space<hbm>>
      %dma_start3A_34 = tpu.memref_squeeze %dma_start3A_33 : memref<1x80x125xi32, #tpu.memory_space<hbm>> -> memref<80x125xi32, #tpu.memory_space<hbm>>
      tpu.enqueue_dma source(%dma_start3A_34 : memref<80x125xi32, #tpu.memory_space<hbm>>) target(%arg7 : memref<80x125xi32, #tpu.memory_space<vmem>>) target_semaphore(%run_scoped3A : memref<!tpu.dma_semaphore, #tpu.memory_space<semaphore_mem>>)
      %dma_wait3A_35 = arith.constant 0 : i32
      %dma_wait3A_36 = arith.constant 0 : i32
      %dma_wait3A_37 = tpu.memref_slice %arg3[%add3A, %dma_wait3A_35, %dma_wait3A_36] : memref<32x80x125xi32, #tpu.memory_space<hbm>> -> memref<1x80x125xi32, #tpu.memory_space<hbm>>
      %dma_wait3A_38 = tpu.memref_squeeze %dma_wait3A_37 : memref<1x80x125xi32, #tpu.memory_space<hbm>> -> memref<80x125xi32, #tpu.memory_space<hbm>>
      %dma_wait3A_39 = arith.constant 0 : i32
      %dma_wait3A_40 = arith.constant 0 : i32
      %dma_wait3A_41 = tpu.memref_slice %arg3[%add3A, %dma_wait3A_39, %dma_wait3A_40] : memref<32x80x125xi32, #tpu.memory_space<hbm>> -> memref<1x80x125xi32, #tpu.memory_space<hbm>>
      %dma_wait3A_42 = tpu.memref_squeeze %dma_wait3A_41 : memref<1x80x125xi32, #tpu.memory_space<hbm>> -> memref<80x125xi32, #tpu.memory_space<hbm>>
      tpu.wait_dma2 semaphore(%run_scoped3A : memref<!tpu.dma_semaphore, #tpu.memory_space<semaphore_mem>>) src(%dma_wait3A_42 : memref<80x125xi32, #tpu.memory_space<hbm>>) dst(%arg7 : memref<80x125xi32, #tpu.memory_space<vmem>>)
      tpu.yield
    }) : () -> ()
    "tpu.region"() ({
      %run_scoped3A = tpu.sem_alloc : memref<!tpu.dma_semaphore, #tpu.memory_space<semaphore_mem>>
      %dma_start3A_27 = arith.constant 0 : i32
      %dma_start3A_28 = arith.constant 0 : i32
      %dma_start3A_29 = tpu.memref_slice %arg4[%add3A, %dma_start3A_27, %dma_start3A_28] : memref<32x80x125xi32, #tpu.memory_space<hbm>> -> memref<1x80x125xi32, #tpu.memory_space<hbm>>
      %dma_start3A_30 = tpu.memref_squeeze %dma_start3A_29 : memref<1x80x125xi32, #tpu.memory_space<hbm>> -> memref<80x125xi32, #tpu.memory_space<hbm>>
      %dma_start3A_31 = arith.constant 0 : i32
      %dma_start3A_32 = arith.constant 0 : i32
      %dma_start3A_33 = tpu.memref_slice %arg4[%add3A, %dma_start3A_31, %dma_start3A_32] : memref<32x80x125xi32, #tpu.memory_space<hbm>> -> memref<1x80x125xi32, #tpu.memory_space<hbm>>
      %dma_start3A_34 = tpu.memref_squeeze %dma_start3A_33 : memref<1x80x125xi32, #tpu.memory_space<hbm>> -> memref<80x125xi32, #tpu.memory_space<hbm>>
      tpu.enqueue_dma source(%dma_start3A_34 : memref<80x125xi32, #tpu.memory_space<hbm>>) target(%arg8 : memref<80x125xi32, #tpu.memory_space<vmem>>) target_semaphore(%run_scoped3A : memref<!tpu.dma_semaphore, #tpu.memory_space<semaphore_mem>>)
      %dma_wait3A_35 = arith.constant 0 : i32
      %dma_wait3A_36 = arith.constant 0 : i32
      %dma_wait3A_37 = tpu.memref_slice %arg4[%add3A, %dma_wait3A_35, %dma_wait3A_36] : memref<32x80x125xi32, #tpu.memory_space<hbm>> -> memref<1x80x125xi32, #tpu.memory_space<hbm>>
      %dma_wait3A_38 = tpu.memref_squeeze %dma_wait3A_37 : memref<1x80x125xi32, #tpu.memory_space<hbm>> -> memref<80x125xi32, #tpu.memory_space<hbm>>
      %dma_wait3A_39 = arith.constant 0 : i32
      %dma_wait3A_40 = arith.constant 0 : i32
      %dma_wait3A_41 = tpu.memref_slice %arg4[%add3A, %dma_wait3A_39, %dma_wait3A_40] : memref<32x80x125xi32, #tpu.memory_space<hbm>> -> memref<1x80x125xi32, #tpu.memory_space<hbm>>
      %dma_wait3A_42 = tpu.memref_squeeze %dma_wait3A_41 : memref<1x80x125xi32, #tpu.memory_space<hbm>> -> memref<80x125xi32, #tpu.memory_space<hbm>>
      tpu.wait_dma2 semaphore(%run_scoped3A : memref<!tpu.dma_semaphore, #tpu.memory_space<semaphore_mem>>) src(%dma_wait3A_42 : memref<80x125xi32, #tpu.memory_space<hbm>>) dst(%arg8 : memref<80x125xi32, #tpu.memory_space<vmem>>)
      tpu.yield
    }) : () -> ()
    "tpu.region"() ({
      %run_scoped3A = tpu.sem_alloc : memref<!tpu.dma_semaphore, #tpu.memory_space<semaphore_mem>>
      %dma_start3A_27 = arith.constant 0 : i32
      %dma_start3A_28 = tpu.memref_slice %arg12[%mul3A_2, %dma_start3A_27] : memref<10240x64xf32, #tpu.memory_space<vmem_shared>> -> memref<640x64xf32, #tpu.memory_space<vmem_shared>>
      %dma_start3A_29 = arith.constant 0 : i32
      %dma_start3A_30 = tpu.memref_slice %arg2[%mul3A_2, %dma_start3A_29] : memref<10240x64xf32, #tpu.memory_space<hbm>> -> memref<640x64xf32, #tpu.memory_space<hbm>>
      tpu.enqueue_dma source(%dma_start3A_30 : memref<640x64xf32, #tpu.memory_space<hbm>>) target(%dma_start3A_28 : memref<640x64xf32, #tpu.memory_space<vmem_shared>>) target_semaphore(%run_scoped3A : memref<!tpu.dma_semaphore, #tpu.memory_space<semaphore_mem>>)
      %dma_wait3A_31 = arith.constant 0 : i32
      %dma_wait3A_32 = tpu.memref_slice %arg12[%mul3A_2, %dma_wait3A_31] : memref<10240x64xf32, #tpu.memory_space<vmem_shared>> -> memref<640x64xf32, #tpu.memory_space<vmem_shared>>
      %dma_wait3A_33 = arith.constant 0 : i32
      %dma_wait3A_34 = tpu.memref_slice %arg2[%mul3A_2, %dma_wait3A_33] : memref<10240x64xf32, #tpu.memory_space<hbm>> -> memref<640x64xf32, #tpu.memory_space<hbm>>
      tpu.wait_dma2 semaphore(%run_scoped3A : memref<!tpu.dma_semaphore, #tpu.memory_space<semaphore_mem>>) src(%dma_wait3A_34 : memref<640x64xf32, #tpu.memory_space<hbm>>) dst(%dma_wait3A_32 : memref<640x64xf32, #tpu.memory_space<vmem_shared>>)
      tpu.yield
    }) : () -> ()
    %barrier3A = arith.constant 0 : index
    tpu.barrier barrier_id(%barrier3A)
    %dma_start3A = arith.constant 0 : i32
    %dma_start3A_3 = arith.constant 0 : i32
    %dma_start3A_4 = arith.constant 0 : i32
    %dma_start3A_5 = tpu.memref_slice %arg9[%dma_start3A_3, %dma_start3A_4] : memref<125x64xf32, #tpu.memory_space<vmem>> -> memref<125x64xf32, #tpu.memory_space<vmem>>
    %dma_start3A_6 = arith.constant 0 : i32
    %dma_start3A_7 = tpu.memref_slice %arg7[%dma_start3A, %dma_start3A_6] : memref<80x125xi32, #tpu.memory_space<vmem>> -> memref<1x125xi32, #tpu.memory_space<vmem>>
    %dma_start3A_8 = tpu.memref_squeeze %dma_start3A_7 : memref<1x125xi32, #tpu.memory_space<vmem>> -> memref<125xi32, #tpu.memory_space<vmem>>
    %dma_start3A_9 = arith.constant 0 : i32
    %dma_start3A_10 = arith.constant 0 : i32
    %dma_start3A_11 = tpu.memref_slice %arg12[%dma_start3A_9, %dma_start3A_10] : memref<10240x64xf32, #tpu.memory_space<vmem_shared>> -> memref<10240x64xf32, #tpu.memory_space<vmem_shared>>
    tpu.enqueue_indirect_dma source(%dma_start3A_11 : memref<10240x64xf32, #tpu.memory_space<vmem_shared>>) target(%dma_start3A_5 : memref<125x64xf32, #tpu.memory_space<vmem>>) offsets(%dma_start3A_8 : memref<125xi32, #tpu.memory_space<vmem>>) semaphore(%arg13 : memref<!tpu.dma_semaphore, #tpu.memory_space<semaphore_mem>>)
    %scan3A = arith.constant 0 : i32
    %scan3A_12 = arith.constant 0 : i32
    %scan3A_13 = arith.constant 40 : i32
    %scan3A_14 = arith.addi %scan3A_12, %scan3A_13 : i32
    %scan3A_15 = arith.constant 1 : i32
    scf.for %scan3A_27 = %scan3A_12 to %scan3A_14 step %scan3A_15  : i32 {
      %mul3A_28 = arith.constant 2 : i32
      %mul3A_29 = arith.muli %mul3A_28, %scan3A_27 : i32
      %add3A_30 = arith.constant 1 : i32
      %add3A_31 = arith.addi %mul3A_29, %add3A_30 : i32
      %add3A_32 = arith.constant 2 : i32
      %add3A_33 = arith.addi %mul3A_29, %add3A_32 : i32
      %min3A = arith.constant 79 : i32
      %min3A_34 = arith.minsi %add3A_33, %min3A : i32
      %dma_wait3A_35 = arith.constant 0 : i32
      %dma_wait3A_36 = arith.constant 0 : i32
      %dma_wait3A_37 = tpu.memref_slice %arg9[%dma_wait3A_35, %dma_wait3A_36] : memref<125x64xf32, #tpu.memory_space<vmem>> -> memref<125x64xf32, #tpu.memory_space<vmem>>
      %dma_wait3A_38 = arith.constant 0 : i32
      %dma_wait3A_39 = tpu.memref_slice %arg7[%mul3A_29, %dma_wait3A_38] : memref<80x125xi32, #tpu.memory_space<vmem>> -> memref<1x125xi32, #tpu.memory_space<vmem>>
      %dma_wait3A_40 = tpu.memref_squeeze %dma_wait3A_39 : memref<1x125xi32, #tpu.memory_space<vmem>> -> memref<125xi32, #tpu.memory_space<vmem>>
      %dma_wait3A_41 = arith.constant 0 : i32
      %dma_wait3A_42 = arith.constant 0 : i32
      %dma_wait3A_43 = tpu.memref_slice %arg12[%dma_wait3A_41, %dma_wait3A_42] : memref<10240x64xf32, #tpu.memory_space<vmem_shared>> -> memref<10240x64xf32, #tpu.memory_space<vmem_shared>>
      tpu.wait_indirect_dma semaphore(%arg13 : memref<!tpu.dma_semaphore, #tpu.memory_space<semaphore_mem>>) src(%dma_wait3A_43 : memref<10240x64xf32, #tpu.memory_space<vmem_shared>>) dst(%dma_wait3A_37 : memref<125x64xf32, #tpu.memory_space<vmem>>)
      %dma_start3A_44 = arith.constant 0 : i32
      %dma_start3A_45 = arith.constant 0 : i32
      %dma_start3A_46 = tpu.memref_slice %arg10[%dma_start3A_44, %dma_start3A_45] : memref<125x64xf32, #tpu.memory_space<vmem>> -> memref<125x64xf32, #tpu.memory_space<vmem>>
      %dma_start3A_47 = arith.constant 0 : i32
      %dma_start3A_48 = tpu.memref_slice %arg7[%add3A_31, %dma_start3A_47] : memref<80x125xi32, #tpu.memory_space<vmem>> -> memref<1x125xi32, #tpu.memory_space<vmem>>
      %dma_start3A_49 = tpu.memref_squeeze %dma_start3A_48 : memref<1x125xi32, #tpu.memory_space<vmem>> -> memref<125xi32, #tpu.memory_space<vmem>>
      %dma_start3A_50 = arith.constant 0 : i32
      %dma_start3A_51 = arith.constant 0 : i32
      %dma_start3A_52 = tpu.memref_slice %arg12[%dma_start3A_50, %dma_start3A_51] : memref<10240x64xf32, #tpu.memory_space<vmem_shared>> -> memref<10240x64xf32, #tpu.memory_space<vmem_shared>>
      tpu.enqueue_indirect_dma source(%dma_start3A_52 : memref<10240x64xf32, #tpu.memory_space<vmem_shared>>) target(%dma_start3A_46 : memref<125x64xf32, #tpu.memory_space<vmem>>) offsets(%dma_start3A_49 : memref<125xi32, #tpu.memory_space<vmem>>) semaphore(%arg14 : memref<!tpu.dma_semaphore, #tpu.memory_space<semaphore_mem>>)
      "tpu.region"() ({
        %run_scoped3A = tpu.sem_alloc : memref<!tpu.dma_semaphore, #tpu.memory_space<semaphore_mem>>
        %dma_start3A_71 = arith.constant 0 : i32
        %dma_start3A_72 = arith.constant 0 : i32
        %dma_start3A_73 = tpu.memref_slice %arg9[%dma_start3A_71, %dma_start3A_72] : memref<125x64xf32, #tpu.memory_space<vmem>> -> memref<125x64xf32, #tpu.memory_space<vmem>>
        %dma_start3A_74 = arith.constant 0 : i32
        %dma_start3A_75 = tpu.memref_slice %arg8[%mul3A_29, %dma_start3A_74] : memref<80x125xi32, #tpu.memory_space<vmem>> -> memref<1x125xi32, #tpu.memory_space<vmem>>
        %dma_start3A_76 = tpu.memref_squeeze %dma_start3A_75 : memref<1x125xi32, #tpu.memory_space<vmem>> -> memref<125xi32, #tpu.memory_space<vmem>>
        %dma_start3A_77 = arith.constant 0 : i32
        %dma_start3A_78 = arith.constant 0 : i32
        %dma_start3A_79 = tpu.memref_slice %arg11[%dma_start3A_77, %dma_start3A_78] : memref<10240x64xf32, #tpu.memory_space<vmem_shared>> -> memref<10240x64xf32, #tpu.memory_space<vmem_shared>>
        tpu.enqueue_indirect_dma source(%dma_start3A_73 : memref<125x64xf32, #tpu.memory_space<vmem>>) target(%dma_start3A_79 : memref<10240x64xf32, #tpu.memory_space<vmem_shared>>) offsets(%dma_start3A_76 : memref<125xi32, #tpu.memory_space<vmem>>) semaphore(%run_scoped3A : memref<!tpu.dma_semaphore, #tpu.memory_space<semaphore_mem>>) {add = true}
        %dma_wait3A_80 = arith.constant 0 : i32
        %dma_wait3A_81 = arith.constant 0 : i32
        %dma_wait3A_82 = tpu.memref_slice %arg9[%dma_wait3A_80, %dma_wait3A_81] : memref<125x64xf32, #tpu.memory_space<vmem>> -> memref<125x64xf32, #tpu.memory_space<vmem>>
        %dma_wait3A_83 = arith.constant 0 : i32
        %dma_wait3A_84 = tpu.memref_slice %arg8[%mul3A_29, %dma_wait3A_83] : memref<80x125xi32, #tpu.memory_space<vmem>> -> memref<1x125xi32, #tpu.memory_space<vmem>>
        %dma_wait3A_85 = tpu.memref_squeeze %dma_wait3A_84 : memref<1x125xi32, #tpu.memory_space<vmem>> -> memref<125xi32, #tpu.memory_space<vmem>>
        %dma_wait3A_86 = arith.constant 0 : i32
        %dma_wait3A_87 = arith.constant 0 : i32
        %dma_wait3A_88 = tpu.memref_slice %arg11[%dma_wait3A_86, %dma_wait3A_87] : memref<10240x64xf32, #tpu.memory_space<vmem_shared>> -> memref<10240x64xf32, #tpu.memory_space<vmem_shared>>
        tpu.wait_indirect_dma semaphore(%run_scoped3A : memref<!tpu.dma_semaphore, #tpu.memory_space<semaphore_mem>>) src(%dma_wait3A_82 : memref<125x64xf32, #tpu.memory_space<vmem>>) dst(%dma_wait3A_88 : memref<10240x64xf32, #tpu.memory_space<vmem_shared>>)
        tpu.yield
      }) : () -> ()
      %dma_wait3A_53 = arith.constant 0 : i32
      %dma_wait3A_54 = arith.constant 0 : i32
      %dma_wait3A_55 = tpu.memref_slice %arg10[%dma_wait3A_53, %dma_wait3A_54] : memref<125x64xf32, #tpu.memory_space<vmem>> -> memref<125x64xf32, #tpu.memory_space<vmem>>
      %dma_wait3A_56 = arith.constant 0 : i32
      %dma_wait3A_57 = tpu.memref_slice %arg7[%add3A_31, %dma_wait3A_56] : memref<80x125xi32, #tpu.memory_space<vmem>> -> memref<1x125xi32, #tpu.memory_space<vmem>>
      %dma_wait3A_58 = tpu.memref_squeeze %dma_wait3A_57 : memref<1x125xi32, #tpu.memory_space<vmem>> -> memref<125xi32, #tpu.memory_space<vmem>>
      %dma_wait3A_59 = arith.constant 0 : i32
      %dma_wait3A_60 = arith.constant 0 : i32
      %dma_wait3A_61 = tpu.memref_slice %arg12[%dma_wait3A_59, %dma_wait3A_60] : memref<10240x64xf32, #tpu.memory_space<vmem_shared>> -> memref<10240x64xf32, #tpu.memory_space<vmem_shared>>
      tpu.wait_indirect_dma semaphore(%arg14 : memref<!tpu.dma_semaphore, #tpu.memory_space<semaphore_mem>>) src(%dma_wait3A_61 : memref<10240x64xf32, #tpu.memory_space<vmem_shared>>) dst(%dma_wait3A_55 : memref<125x64xf32, #tpu.memory_space<vmem>>)
      %dma_start3A_62 = arith.constant 0 : i32
      %dma_start3A_63 = arith.constant 0 : i32
      %dma_start3A_64 = tpu.memref_slice %arg9[%dma_start3A_62, %dma_start3A_63] : memref<125x64xf32, #tpu.memory_space<vmem>> -> memref<125x64xf32, #tpu.memory_space<vmem>>
      %dma_start3A_65 = arith.constant 0 : i32
      %dma_start3A_66 = tpu.memref_slice %arg7[%min3A_34, %dma_start3A_65] : memref<80x125xi32, #tpu.memory_space<vmem>> -> memref<1x125xi32, #tpu.memory_space<vmem>>
      %dma_start3A_67 = tpu.memref_squeeze %dma_start3A_66 : memref<1x125xi32, #tpu.memory_space<vmem>> -> memref<125xi32, #tpu.memory_space<vmem>>
      %dma_start3A_68 = arith.constant 0 : i32
      %dma_start3A_69 = arith.constant 0 : i32
      %dma_start3A_70 = tpu.memref_slice %arg12[%dma_start3A_68, %dma_start3A_69] : memref<10240x64xf32, #tpu.memory_space<vmem_shared>> -> memref<10240x64xf32, #tpu.memory_space<vmem_shared>>
      tpu.enqueue_indirect_dma source(%dma_start3A_70 : memref<10240x64xf32, #tpu.memory_space<vmem_shared>>) target(%dma_start3A_64 : memref<125x64xf32, #tpu.memory_space<vmem>>) offsets(%dma_start3A_67 : memref<125xi32, #tpu.memory_space<vmem>>) semaphore(%arg13 : memref<!tpu.dma_semaphore, #tpu.memory_space<semaphore_mem>>)
      "tpu.region"() ({
        %run_scoped3A = tpu.sem_alloc : memref<!tpu.dma_semaphore, #tpu.memory_space<semaphore_mem>>
        %dma_start3A_71 = arith.constant 0 : i32
        %dma_start3A_72 = arith.constant 0 : i32
        %dma_start3A_73 = tpu.memref_slice %arg10[%dma_start3A_71, %dma_start3A_72] : memref<125x64xf32, #tpu.memory_space<vmem>> -> memref<125x64xf32, #tpu.memory_space<vmem>>
        %dma_start3A_74 = arith.constant 0 : i32
        %dma_start3A_75 = tpu.memref_slice %arg8[%add3A_31, %dma_start3A_74] : memref<80x125xi32, #tpu.memory_space<vmem>> -> memref<1x125xi32, #tpu.memory_space<vmem>>
        %dma_start3A_76 = tpu.memref_squeeze %dma_start3A_75 : memref<1x125xi32, #tpu.memory_space<vmem>> -> memref<125xi32, #tpu.memory_space<vmem>>
        %dma_start3A_77 = arith.constant 0 : i32
        %dma_start3A_78 = arith.constant 0 : i32
        %dma_start3A_79 = tpu.memref_slice %arg11[%dma_start3A_77, %dma_start3A_78] : memref<10240x64xf32, #tpu.memory_space<vmem_shared>> -> memref<10240x64xf32, #tpu.memory_space<vmem_shared>>
        tpu.enqueue_indirect_dma source(%dma_start3A_73 : memref<125x64xf32, #tpu.memory_space<vmem>>) target(%dma_start3A_79 : memref<10240x64xf32, #tpu.memory_space<vmem_shared>>) offsets(%dma_start3A_76 : memref<125xi32, #tpu.memory_space<vmem>>) semaphore(%run_scoped3A : memref<!tpu.dma_semaphore, #tpu.memory_space<semaphore_mem>>) {add = true}
        %dma_wait3A_80 = arith.constant 0 : i32
        %dma_wait3A_81 = arith.constant 0 : i32
        %dma_wait3A_82 = tpu.memref_slice %arg10[%dma_wait3A_80, %dma_wait3A_81] : memref<125x64xf32, #tpu.memory_space<vmem>> -> memref<125x64xf32, #tpu.memory_space<vmem>>
        %dma_wait3A_83 = arith.constant 0 : i32
        %dma_wait3A_84 = tpu.memref_slice %arg8[%add3A_31, %dma_wait3A_83] : memref<80x125xi32, #tpu.memory_space<vmem>> -> memref<1x125xi32, #tpu.memory_space<vmem>>
        %dma_wait3A_85 = tpu.memref_squeeze %dma_wait3A_84 : memref<1x125xi32, #tpu.memory_space<vmem>> -> memref<125xi32, #tpu.memory_space<vmem>>
        %dma_wait3A_86 = arith.constant 0 : i32
        %dma_wait3A_87 = arith.constant 0 : i32
        %dma_wait3A_88 = tpu.memref_slice %arg11[%dma_wait3A_86, %dma_wait3A_87] : memref<10240x64xf32, #tpu.memory_space<vmem_shared>> -> memref<10240x64xf32, #tpu.memory_space<vmem_shared>>
        tpu.wait_indirect_dma semaphore(%run_scoped3A : memref<!tpu.dma_semaphore, #tpu.memory_space<semaphore_mem>>) src(%dma_wait3A_82 : memref<125x64xf32, #tpu.memory_space<vmem>>) dst(%dma_wait3A_88 : memref<10240x64xf32, #tpu.memory_space<vmem_shared>>)
        tpu.yield
      }) : () -> ()
    }
    %scan3A_16 = arith.constant 40 : i32
    %dma_wait3A = arith.constant 79 : i32
    %dma_wait3A_17 = arith.constant 0 : i32
    %dma_wait3A_18 = arith.constant 0 : i32
    %dma_wait3A_19 = tpu.memref_slice %arg9[%dma_wait3A_17, %dma_wait3A_18] : memref<125x64xf32, #tpu.memory_space<vmem>> -> memref<125x64xf32, #tpu.memory_space<vmem>>
    %dma_wait3A_20 = arith.constant 0 : i32
    %dma_wait3A_21 = tpu.memref_slice %arg7[%dma_wait3A, %dma_wait3A_20] : memref<80x125xi32, #tpu.memory_space<vmem>> -> memref<1x125xi32, #tpu.memory_space<vmem>>
    %dma_wait3A_22 = tpu.memref_squeeze %dma_wait3A_21 : memref<1x125xi32, #tpu.memory_space<vmem>> -> memref<125xi32, #tpu.memory_space<vmem>>
    %dma_wait3A_23 = arith.constant 0 : i32
    %dma_wait3A_24 = arith.constant 0 : i32
    %dma_wait3A_25 = tpu.memref_slice %arg12[%dma_wait3A_23, %dma_wait3A_24] : memref<10240x64xf32, #tpu.memory_space<vmem_shared>> -> memref<10240x64xf32, #tpu.memory_space<vmem_shared>>
    tpu.wait_indirect_dma semaphore(%arg13 : memref<!tpu.dma_semaphore, #tpu.memory_space<semaphore_mem>>) src(%dma_wait3A_25 : memref<10240x64xf32, #tpu.memory_space<vmem_shared>>) dst(%dma_wait3A_19 : memref<125x64xf32, #tpu.memory_space<vmem>>)
    %barrier3A_26 = arith.constant 0 : index
    tpu.barrier barrier_id(%barrier3A_26)
    "tpu.region"() ({
      %run_scoped3A = tpu.sem_alloc : memref<!tpu.dma_semaphore, #tpu.memory_space<semaphore_mem>>
      %dma_start3A_27 = arith.constant 0 : i32
      %dma_start3A_28 = tpu.memref_slice %arg6[%arg0, %mul3A_2, %dma_start3A_27] : memref<2x10240x64xf32, #tpu.memory_space<hbm>> -> memref<1x640x64xf32, #tpu.memory_space<hbm>>
      %dma_start3A_29 = tpu.memref_squeeze %dma_start3A_28 : memref<1x640x64xf32, #tpu.memory_space<hbm>> -> memref<640x64xf32, #tpu.memory_space<hbm>>
      %dma_start3A_30 = arith.constant 0 : i32
      %dma_start3A_31 = tpu.memref_slice %arg11[%mul3A_2, %dma_start3A_30] : memref<10240x64xf32, #tpu.memory_space<vmem_shared>> -> memref<640x64xf32, #tpu.memory_space<vmem_shared>>
      tpu.enqueue_dma source(%dma_start3A_31 : memref<640x64xf32, #tpu.memory_space<vmem_shared>>) target(%dma_start3A_29 : memref<640x64xf32, #tpu.memory_space<hbm>>) target_semaphore(%run_scoped3A : memref<!tpu.dma_semaphore, #tpu.memory_space<semaphore_mem>>)
      %dma_wait3A_32 = arith.constant 0 : i32
      %dma_wait3A_33 = tpu.memref_slice %arg6[%arg0, %mul3A_2, %dma_wait3A_32] : memref<2x10240x64xf32, #tpu.memory_space<hbm>> -> memref<1x640x64xf32, #tpu.memory_space<hbm>>
      %dma_wait3A_34 = tpu.memref_squeeze %dma_wait3A_33 : memref<1x640x64xf32, #tpu.memory_space<hbm>> -> memref<640x64xf32, #tpu.memory_space<hbm>>
      %dma_wait3A_35 = arith.constant 0 : i32
      %dma_wait3A_36 = tpu.memref_slice %arg11[%mul3A_2, %dma_wait3A_35] : memref<10240x64xf32, #tpu.memory_space<vmem_shared>> -> memref<640x64xf32, #tpu.memory_space<vmem_shared>>
      tpu.wait_dma2 semaphore(%run_scoped3A : memref<!tpu.dma_semaphore, #tpu.memory_space<semaphore_mem>>) src(%dma_wait3A_36 : memref<640x64xf32, #tpu.memory_space<vmem_shared>>) dst(%dma_wait3A_34 : memref<640x64xf32, #tpu.memory_space<hbm>>)
      tpu.yield
    }) : () -> ()
    return
  }
}

module attributes {stable_mosaic.version = 14 : i64} {
  func.func @_tc_mm1_body(%arg0: i32, %arg1: memref<1000x128xf32, #tpu.memory_space<vmem>>, %arg2: memref<128x64xf32, #tpu.memory_space<vmem>>, %arg3: memref<1000x64xf32, #tpu.memory_space<vmem>>) attributes {dimension_semantics = [#tpu.dimension_semantics<arbitrary>], iteration_bounds = array<i64: 10>, scalar_prefetch = 0 : i64, scratch_operands = 0 : i64, tpu.core_type = #tpu.core_type<tc>, window_params = [{transform_indices = @transform_0, window_bounds = array<i64: 1000, 128>}, {pipeline_mode = #tpu.pipeline_mode<synchronous>, transform_indices = @transform_1, window_bounds = array<i64: 128, 64>}, {transform_indices = @transform_2, window_bounds = array<i64: 1000, 64>}]} {
    %get3A = arith.constant 0 : index
    %get3A_0 = arith.constant 0 : index
    %get3A_1 = vector.load %arg1[%get3A, %get3A_0] : memref<1000x128xf32, #tpu.memory_space<vmem>>, vector<1000x128xf32>
    %get3A_2 = arith.constant 0 : index
    %get3A_3 = arith.constant 0 : index
    %get3A_4 = vector.load %arg2[%get3A_2, %get3A_3] : memref<128x64xf32, #tpu.memory_space<vmem>>, vector<128x64xf32>
    %dot_general3A = arith.constant dense<0.000000e+00> : vector<1000x64xf32>
    %dot_general3A_5 = tpu.matmul %get3A_1, %get3A_4, %dot_general3A {dimension_numbers = #tpu.dot_dimension_numbers<[1], [0], [0], [1], [0, 0, 1, 1], [], []>, transpose_lhs_hint = false} : vector<1000x128xf32>, vector<128x64xf32>, vector<1000x64xf32> -> vector<1000x64xf32>
    %swap3A = arith.constant 0 : index
    %swap3A_6 = arith.constant 0 : index
    %swap3A_7 = vector.load %arg3[%swap3A, %swap3A_6] : memref<1000x64xf32, #tpu.memory_space<vmem>>, vector<1000x64xf32>
    tpu.vector_store %arg3[%swap3A, %swap3A_6], %dot_general3A_5 {strides = array<i32>} : memref<1000x64xf32, #tpu.memory_space<vmem>>, vector<1000x64xf32>,
    return
  }
  func.func @transform_0(%arg0: i32) -> (i32, i32) {
    %c0_i32 = arith.constant 0 : i32
    %c0_i32_0 = arith.constant 0 : i32
    return %arg0, %c0_i32 : i32, i32
  }
  func.func @transform_1(%arg0: i32) -> (i32, i32) {
    %c0_i32 = arith.constant 0 : i32
    %c0_i32_0 = arith.constant 0 : i32
    %c0_i32_1 = arith.constant 0 : i32
    return %c0_i32, %c0_i32_0 : i32, i32
  }
  func.func @transform_2(%arg0: i32) -> (i32, i32) {
    %c0_i32 = arith.constant 0 : i32
    %c0_i32_0 = arith.constant 0 : i32
    return %arg0, %c0_i32 : i32, i32
  }
}

module attributes {stable_mosaic.version = 14 : i64} {
  func.func @_tc_scale_body(%arg0: i32, %arg1: memref<2x1024x8xf32, #tpu.memory_space<vmem>>, %arg2: memref<1024x64xf32, #tpu.memory_space<vmem>>, %arg3: memref<1024x64xf32, #tpu.memory_space<vmem>>) attributes {dimension_semantics = [#tpu.dimension_semantics<arbitrary>], iteration_bounds = array<i64: 10>, scalar_prefetch = 0 : i64, scratch_operands = 0 : i64, tpu.core_type = #tpu.core_type<tc>, window_params = [{transform_indices = @transform_0, window_bounds = array<i64: 2, 1024, 8>}, {transform_indices = @transform_1, window_bounds = array<i64: 1024, 64>}, {transform_indices = @transform_2, window_bounds = array<i64: 1024, 64>}]} {
    %get3A = arith.constant 0 : index
    %get3A_0 = arith.constant 0 : index
    %get3A_1 = vector.load %arg2[%get3A, %get3A_0] : memref<1024x64xf32, #tpu.memory_space<vmem>>, vector<1024x64xf32>
    %get3A_2 = arith.constant 0 : index
    %get3A_3 = arith.constant 0 : index
    %get3A_4 = arith.constant 0 : index
    %get3A_5 = vector.load %arg1[%get3A_2, %get3A_3, %get3A_4] : memref<2x1024x8xf32, #tpu.memory_space<vmem>>, vector<1x1024x1xf32>
    %get3A_6 = vector.shape_cast %get3A_5 : vector<1x1024x1xf32> to vector<1024x1xf32>
    %get3A_7 = arith.constant 1 : index
    %get3A_8 = arith.constant 0 : index
    %get3A_9 = arith.constant 0 : index
    %get3A_10 = vector.load %arg1[%get3A_7, %get3A_8, %get3A_9] : memref<2x1024x8xf32, #tpu.memory_space<vmem>>, vector<1x1024x1xf32>
    %get3A_11 = vector.shape_cast %get3A_10 : vector<1x1024x1xf32> to vector<1024x1xf32>
    %add3A = arith.addf %get3A_6, %get3A_11 : vector<1024x1xf32>
    %add3A_12 = arith.constant 1.000000e+00 : f32
    %add3A_13 = vector.broadcast %add3A_12 : f32 to vector<1024x1xf32>
    %add3A_14 = arith.addf %add3A, %add3A_13 : vector<1024x1xf32>
    %rsqrt3A = math.rsqrt %add3A_14 : vector<1024x1xf32>
    %mul3A = vector.broadcast %rsqrt3A : vector<1024x1xf32> to vector<1024x64xf32>
    %mul3A_15 = arith.mulf %get3A_1, %mul3A : vector<1024x64xf32>
    %swap3A = arith.constant 0 : index
    %swap3A_16 = arith.constant 0 : index
    %swap3A_17 = vector.load %arg3[%swap3A, %swap3A_16] : memref<1024x64xf32, #tpu.memory_space<vmem>>, vector<1024x64xf32>
    tpu.vector_store %arg3[%swap3A, %swap3A_16], %mul3A_15 {strides = array<i32>} : memref<1024x64xf32, #tpu.memory_space<vmem>>, vector<1024x64xf32>,
    return
  }
  func.func @transform_0(%arg0: i32) -> (i32, i32, i32) {
    %c0_i32 = arith.constant 0 : i32
    %c0_i32_0 = arith.constant 0 : i32
    %c0_i32_1 = arith.constant 0 : i32
    return %c0_i32, %arg0, %c0_i32_0 : i32, i32, i32
  }
  func.func @transform_1(%arg0: i32) -> (i32, i32) {
    %c0_i32 = arith.constant 0 : i32
    %c0_i32_0 = arith.constant 0 : i32
    return %arg0, %c0_i32 : i32, i32
  }
  func.func @transform_2(%arg0: i32) -> (i32, i32) {
    %c0_i32 = arith.constant 0 : i32
    %c0_i32_0 = arith.constant 0 : i32
    return %arg0, %c0_i32 : i32, i32
  }
}

module attributes {stable_mosaic.version = 14 : i64} {
  func.func @_tc_b_body(%arg0: i32, %arg1: memref<2x1000x8xf32, #tpu.memory_space<vmem>>, %arg2: memref<1000x64xf32, #tpu.memory_space<vmem>>, %arg3: memref<2x1000x64xf32, #tpu.memory_space<vmem>>, %arg4: memref<1x64xf32, #tpu.memory_space<vmem>>, %arg5: memref<64x64xf32, #tpu.memory_space<vmem>>, %arg6: memref<1000x64xf32, #tpu.memory_space<vmem>>) attributes {dimension_semantics = [#tpu.dimension_semantics<arbitrary>], iteration_bounds = array<i64: 10>, scalar_prefetch = 0 : i64, scratch_operands = 0 : i64, tpu.core_type = #tpu.core_type<tc>, window_params = [{transform_indices = @transform_0, window_bounds = array<i64: 2, 1000, 8>}, {transform_indices = @transform_1, window_bounds = array<i64: 1000, 64>}, {transform_indices = @transform_2, window_bounds = array<i64: 2, 1000, 64>}, {pipeline_mode = #tpu.pipeline_mode<synchronous>, transform_indices = @transform_3, window_bounds = array<i64: 1, 64>}, {pipeline_mode = #tpu.pipeline_mode<synchronous>, transform_indices = @transform_4, window_bounds = array<i64: 64, 64>}, {transform_indices = @transform_5, window_bounds = array<i64: 1000, 64>}]} {
    %get3A = arith.constant 0 : index
    %get3A_0 = arith.constant 0 : index
    %get3A_1 = arith.constant 0 : index
    %get3A_2 = vector.load %arg1[%get3A, %get3A_0, %get3A_1] : memref<2x1000x8xf32, #tpu.memory_space<vmem>>, vector<1x1000x1xf32>
    %get3A_3 = vector.shape_cast %get3A_2 : vector<1x1000x1xf32> to vector<1000x1xf32>
    %get3A_4 = arith.constant 1 : index
    %get3A_5 = arith.constant 0 : index
    %get3A_6 = arith.constant 0 : index
    %get3A_7 = vector.load %arg1[%get3A_4, %get3A_5, %get3A_6] : memref<2x1000x8xf32, #tpu.memory_space<vmem>>, vector<1x1000x1xf32>
    %get3A_8 = vector.shape_cast %get3A_7 : vector<1x1000x1xf32> to vector<1000x1xf32>
    %add3A = arith.addf %get3A_3, %get3A_8 : vector<1000x1xf32>
    %add3A_9 = arith.constant 1.000000e+00 : f32
    %add3A_10 = vector.broadcast %add3A_9 : f32 to vector<1000x1xf32>
    %add3A_11 = arith.addf %add3A, %add3A_10 : vector<1000x1xf32>
    %rsqrt3A = math.rsqrt %add3A_11 : vector<1000x1xf32>
    %get3A_12 = arith.constant 0 : index
    %get3A_13 = arith.constant 0 : index
    %get3A_14 = arith.constant 0 : index
    %get3A_15 = vector.load %arg3[%get3A_12, %get3A_13, %get3A_14] : memref<2x1000x64xf32, #tpu.memory_space<vmem>>, vector<1x1000x64xf32>
    %get3A_16 = vector.shape_cast %get3A_15 : vector<1x1000x64xf32> to vector<1000x64xf32>
    %get3A_17 = arith.constant 1 : index
    %get3A_18 = arith.constant 0 : index
    %get3A_19 = arith.constant 0 : index
    %get3A_20 = vector.load %arg3[%get3A_17, %get3A_18, %get3A_19] : memref<2x1000x64xf32, #tpu.memory_space<vmem>>, vector<1x1000x64xf32>
    %get3A_21 = vector.shape_cast %get3A_20 : vector<1x1000x64xf32> to vector<1000x64xf32>
    %add3A_22 = arith.addf %get3A_16, %get3A_21 : vector<1000x64xf32>
    %get3A_23 = arith.constant 0 : index
    %get3A_24 = arith.constant 0 : index
    %get3A_25 = vector.load %arg2[%get3A_23, %get3A_24] : memref<1000x64xf32, #tpu.memory_space<vmem>>, vector<1000x64xf32>
    %add3A_26 = arith.addf %add3A_22, %get3A_25 : vector<1000x64xf32>
    %mul3A = vector.broadcast %rsqrt3A : vector<1000x1xf32> to vector<1000x64xf32>
    %mul3A_27 = arith.mulf %add3A_26, %mul3A : vector<1000x64xf32>
    %get3A_28 = arith.constant 0 : index
    %get3A_29 = arith.constant 0 : index
    %get3A_30 = vector.load %arg4[%get3A_28, %get3A_29] : memref<1x64xf32, #tpu.memory_space<vmem>>, vector<1x64xf32>
    %add3A_31 = vector.broadcast %get3A_30 : vector<1x64xf32> to vector<1000x64xf32>
    %add3A_32 = arith.addf %mul3A_27, %add3A_31 : vector<1000x64xf32>
    %max3A = arith.constant 0.000000e+00 : f32
    %max3A_33 = vector.broadcast %max3A : f32 to vector<1000x64xf32>
    %max3A_34 = arith.maximumf %add3A_32, %max3A_33 : vector<1000x64xf32>
    %get3A_35 = arith.constant 0 : index
    %get3A_36 = arith.constant 0 : index
    %get3A_37 = vector.load %arg5[%get3A_35, %get3A_36] : memref<64x64xf32, #tpu.memory_space<vmem>>, vector<64x64xf32>
    %dot_general3A = arith.constant dense<0.000000e+00> : vector<1000x64xf32>
    %dot_general3A_38 = tpu.matmul %max3A_34, %get3A_37, %dot_general3A {dimension_numbers = #tpu.dot_dimension_numbers<[1], [0], [0], [1], [0, 0, 1, 1], [], []>, transpose_lhs_hint = false} : vector<1000x64xf32>, vector<64x64xf32>, vector<1000x64xf32> -> vector<1000x64xf32>
    %mul3A_39 = vector.broadcast %rsqrt3A : vector<1000x1xf32> to vector<1000x64xf32>
    %mul3A_40 = arith.mulf %dot_general3A_38, %mul3A_39 : vector<1000x64xf32>
    %swap3A = arith.constant 0 : index
    %swap3A_41 = arith.constant 0 : index
    %swap3A_42 = vector.load %arg6[%swap3A, %swap3A_41] : memref<1000x64xf32, #tpu.memory_space<vmem>>, vector<1000x64xf32>
    tpu.vector_store %arg6[%swap3A, %swap3A_41], %mul3A_40 {strides = array<i32>} : memref<1000x64xf32, #tpu.memory_space<vmem>>, vector<1000x64xf32>,
    return
  }
  func.func @transform_0(%arg0: i32) -> (i32, i32, i32) {
    %c0_i32 = arith.constant 0 : i32
    %c0_i32_0 = arith.constant 0 : i32
    %c0_i32_1 = arith.constant 0 : i32
    return %c0_i32, %arg0, %c0_i32_0 : i32, i32, i32
  }
  func.func @transform_1(%arg0: i32) -> (i32, i32) {
    %c0_i32 = arith.constant 0 : i32
    %c0_i32_0 = arith.constant 0 : i32
    return %arg0, %c0_i32 : i32, i32
  }
  func.func @transform_2(%arg0: i32) -> (i32, i32, i32) {
    %c0_i32 = arith.constant 0 : i32
    %c0_i32_0 = arith.constant 0 : i32
    %c0_i32_1 = arith.constant 0 : i32
    return %c0_i32, %arg0, %c0_i32_0 : i32, i32, i32
  }
  func.func @transform_3(%arg0: i32) -> (i32, i32) {
    %c0_i32 = arith.constant 0 : i32
    %c0_i32_0 = arith.constant 0 : i32
    %c0_i32_1 = arith.constant 0 : i32
    return %c0_i32, %c0_i32_0 : i32, i32
  }
  func.func @transform_4(%arg0: i32) -> (i32, i32) {
    %c0_i32 = arith.constant 0 : i32
    %c0_i32_0 = arith.constant 0 : i32
    %c0_i32_1 = arith.constant 0 : i32
    return %c0_i32, %c0_i32_0 : i32, i32
  }
  func.func @transform_5(%arg0: i32) -> (i32, i32) {
    %c0_i32 = arith.constant 0 : i32
    %c0_i32_0 = arith.constant 0 : i32
    return %arg0, %c0_i32 : i32, i32
  }
}

module attributes {stable_mosaic.version = 14 : i64} {
  func.func @_tc_c_body(%arg0: i32, %arg1: memref<2x1000x8xf32, #tpu.memory_space<vmem>>, %arg2: memref<2x1000x64xf32, #tpu.memory_space<vmem>>, %arg3: memref<1000x64xf32, #tpu.memory_space<vmem>>, %arg4: memref<1x64xf32, #tpu.memory_space<vmem>>, %arg5: memref<1000x1xf32, #tpu.memory_space<vmem>>, %arg6: memref<64x8xf32, #tpu.memory_space<vmem>>, %arg7: memref<1x8xf32, #tpu.memory_space<vmem>>, %arg8: memref<64x8xf32, #tpu.memory_space<vmem>>, %arg9: memref<64x64xf32, #tpu.memory_space<vmem>>, %arg10: memref<64x64xf32, #tpu.memory_space<vmem>>) attributes {dimension_semantics = [#tpu.dimension_semantics<arbitrary>], iteration_bounds = array<i64: 10>, scalar_prefetch = 0 : i64, scratch_operands = 2 : i64, tpu.core_type = #tpu.core_type<tc>, window_params = [{transform_indices = @transform_0, window_bounds = array<i64: 2, 1000, 8>}, {transform_indices = @transform_1, window_bounds = array<i64: 2, 1000, 64>}, {transform_indices = @transform_2, window_bounds = array<i64: 1000, 64>}, {pipeline_mode = #tpu.pipeline_mode<synchronous>, transform_indices = @transform_3, window_bounds = array<i64: 1, 64>}, {transform_indices = @transform_4, window_bounds = array<i64: 1000, 1>}, {pipeline_mode = #tpu.pipeline_mode<synchronous>, transform_indices = @transform_5, window_bounds = array<i64: 64, 8>}, {pipeline_mode = #tpu.pipeline_mode<synchronous>, transform_indices = @transform_6, window_bounds = array<i64: 1, 8>}, {pipeline_mode = #tpu.pipeline_mode<synchronous>, transform_indices = @transform_7, window_bounds = array<i64: 64, 8>}]} {
    %eq3A = arith.constant 0 : i32
    %eq3A_0 = arith.cmpi eq, %arg0, %eq3A : i32
    %convert_element_type3A = arith.extui %eq3A_0 : i1 to i32
    %cond3A = arith.constant 0 : i32
    %cond3A_1 = arith.cmpi ne, %convert_element_type3A, %cond3A : i32
    scf.if %cond3A_1 {
      %broadcast_in_dim3A_68 = arith.constant 0.000000e+00 : f32
      %broadcast_in_dim3A_69 = vector.broadcast %broadcast_in_dim3A_68 : f32 to vector<64x64xf32>
      %swap3A_70 = arith.constant 0 : index
      %swap3A_71 = arith.constant 0 : index
      %swap3A_72 = vector.load %arg9[%swap3A_70, %swap3A_71] : memref<64x64xf32, #tpu.memory_space<vmem>>, vector<64x64xf32>
      tpu.vector_store %arg9[%swap3A_70, %swap3A_71], %broadcast_in_dim3A_69 {strides = array<i32>} : memref<64x64xf32, #tpu.memory_space<vmem>>, vector<64x64xf32>,
      %broadcast_in_dim3A_73 = arith.constant 0.000000e+00 : f32
      %broadcast_in_dim3A_74 = vector.broadcast %broadcast_in_dim3A_73 : f32 to vector<64x64xf32>
      %swap3A_75 = arith.constant 0 : index
      %swap3A_76 = arith.constant 0 : index
      %swap3A_77 = vector.load %arg10[%swap3A_75, %swap3A_76] : memref<64x64xf32, #tpu.memory_space<vmem>>, vector<64x64xf32>
      tpu.vector_store %arg10[%swap3A_75, %swap3A_76], %broadcast_in_dim3A_74 {strides = array<i32>} : memref<64x64xf32, #tpu.memory_space<vmem>>, vector<64x64xf32>,
    } else {
    }
    %get3A = arith.constant 0 : index
    %get3A_2 = arith.constant 0 : index
    %get3A_3 = arith.constant 0 : index
    %get3A_4 = vector.load %arg1[%get3A, %get3A_2, %get3A_3] : memref<2x1000x8xf32, #tpu.memory_space<vmem>>, vector<1x1000x1xf32>
    %get3A_5 = vector.shape_cast %get3A_4 : vector<1x1000x1xf32> to vector<1000x1xf32>
    %get3A_6 = arith.constant 1 : index
    %get3A_7 = arith.constant 0 : index
    %get3A_8 = arith.constant 0 : index
    %get3A_9 = vector.load %arg1[%get3A_6, %get3A_7, %get3A_8] : memref<2x1000x8xf32, #tpu.memory_space<vmem>>, vector<1x1000x1xf32>
    %get3A_10 = vector.shape_cast %get3A_9 : vector<1x1000x1xf32> to vector<1000x1xf32>
    %add3A = arith.addf %get3A_5, %get3A_10 : vector<1000x1xf32>
    %add3A_11 = arith.constant 1.000000e+00 : f32
    %add3A_12 = vector.broadcast %add3A_11 : f32 to vector<1000x1xf32>
    %add3A_13 = arith.addf %add3A, %add3A_12 : vector<1000x1xf32>
    %rsqrt3A = math.rsqrt %add3A_13 : vector<1000x1xf32>
    %get3A_14 = arith.constant 0 : index
    %get3A_15 = arith.constant 0 : index
    %get3A_16 = arith.constant 0 : index
    %get3A_17 = vector.load %arg2[%get3A_14, %get3A_15, %get3A_16] : memref<2x1000x64xf32, #tpu.memory_space<vmem>>, vector<1x1000x64xf32>
    %get3A_18 = vector.shape_cast %get3A_17 : vector<1x1000x64xf32> to vector<1000x64xf32>
    %get3A_19 = arith.constant 1 : index
    %get3A_20 = arith.constant 0 : index
    %get3A_21 = arith.constant 0 : index
    %get3A_22 = vector.load %arg2[%get3A_19, %get3A_20, %get3A_21] : memref<2x1000x64xf32, #tpu.memory_space<vmem>>, vector<1x1000x64xf32>
    %get3A_23 = vector.shape_cast %get3A_22 : vector<1x1000x64xf32> to vector<1000x64xf32>
    %add3A_24 = arith.addf %get3A_18, %get3A_23 : vector<1000x64xf32>
    %get3A_25 = arith.constant 0 : index
    %get3A_26 = arith.constant 0 : index
    %get3A_27 = vector.load %arg3[%get3A_25, %get3A_26] : memref<1000x64xf32, #tpu.memory_space<vmem>>, vector<1000x64xf32>
    %add3A_28 = arith.addf %add3A_24, %get3A_27 : vector<1000x64xf32>
    %mul3A = vector.broadcast %rsqrt3A : vector<1000x1xf32> to vector<1000x64xf32>
    %mul3A_29 = arith.mulf %add3A_28, %mul3A : vector<1000x64xf32>
    %get3A_30 = arith.constant 0 : index
    %get3A_31 = arith.constant 0 : index
    %get3A_32 = vector.load %arg4[%get3A_30, %get3A_31] : memref<1x64xf32, #tpu.memory_space<vmem>>, vector<1x64xf32>
    %add3A_33 = vector.broadcast %get3A_32 : vector<1x64xf32> to vector<1000x64xf32>
    %add3A_34 = arith.addf %mul3A_29, %add3A_33 : vector<1000x64xf32>
    %max3A = arith.constant 0.000000e+00 : f32
    %max3A_35 = vector.broadcast %max3A : f32 to vector<1000x64xf32>
    %max3A_36 = arith.maximumf %add3A_34, %max3A_35 : vector<1000x64xf32>
    %iota3A = tpu.iota {dimensions = array<i32: 1>} : vector<1000x64xi32>
    %convert_element_type3A_37 = arith.sitofp %iota3A : vector<1000x64xi32> to vector<1000x64xf32>
    %get3A_38 = arith.constant 0 : index
    %get3A_39 = arith.constant 0 : index
    %get3A_40 = vector.load %arg5[%get3A_38, %get3A_39] : memref<1000x1xf32, #tpu.memory_space<vmem>>, vector<1000x1xf32>
    %eq3A_41 = vector.broadcast %get3A_40 : vector<1000x1xf32> to vector<1000x64xf32>
    %eq3A_42 = arith.cmpf oeq, %eq3A_41, %convert_element_type3A_37 : vector<1000x64xf32>
    %jit3A = arith.constant 1.000000e+00 : f32
    %jit3A_43 = arith.constant 0.000000e+00 : f32
    %broadcast_in_dim3A = vector.broadcast %jit3A : f32 to vector<1000x64xf32>
    %broadcast_in_dim3A_44 = vector.broadcast %jit3A_43 : f32 to vector<1000x64xf32>
    %select_n3A = arith.select %eq3A_42, %broadcast_in_dim3A, %broadcast_in_dim3A_44 : vector<1000x64xi1>, vector<1000x64xf32>
    %get3A_45 = arith.constant 0 : index
    %get3A_46 = arith.constant 0 : index
    %get3A_47 = vector.load %arg9[%get3A_45, %get3A_46] : memref<64x64xf32, #tpu.memory_space<vmem>>, vector<64x64xf32>
    %dot_general3A = arith.constant dense<0.000000e+00> : vector<64x64xf32>
    %dot_general3A_48 = tpu.matmul %select_n3A, %max3A_36, %dot_general3A {dimension_numbers = #tpu.dot_dimension_numbers<[0], [0], [1], [1], [0, 1, 1, 1], [], []>, transpose_lhs_hint = false} : vector<1000x64xf32>, vector<1000x64xf32>, vector<64x64xf32> -> vector<64x64xf32>
    %add3A_49 = arith.addf %get3A_47, %dot_general3A_48 : vector<64x64xf32>
    %swap3A = arith.constant 0 : index
    %swap3A_50 = arith.constant 0 : index
    %swap3A_51 = vector.load %arg9[%swap3A, %swap3A_50] : memref<64x64xf32, #tpu.memory_space<vmem>>, vector<64x64xf32>
    tpu.vector_store %arg9[%swap3A, %swap3A_50], %add3A_49 {strides = array<i32>} : memref<64x64xf32, #tpu.memory_space<vmem>>, vector<64x64xf32>,
    %get3A_52 = arith.constant 0 : index
    %get3A_53 = arith.constant 0 : index
    %get3A_54 = vector.load %arg10[%get3A_52, %get3A_53] : memref<64x64xf32, #tpu.memory_space<vmem>>, vector<64x64xf32>
    %broadcast_in_dim3A_55 = arith.constant 1.000000e+00 : f32
    %broadcast_in_dim3A_56 = vector.broadcast %broadcast_in_dim3A_55 : f32 to vector<1000x64xf32>
    %dot_general3A_57 = arith.constant dense<0.000000e+00> : vector<64x64xf32>
    %dot_general3A_58 = tpu.matmul %select_n3A, %broadcast_in_dim3A_56, %dot_general3A_57 {dimension_numbers = #tpu.dot_dimension_numbers<[0], [0], [1], [1], [0, 1, 1, 1], [], []>, transpose_lhs_hint = false} : vector<1000x64xf32>, vector<1000x64xf32>, vector<64x64xf32> -> vector<64x64xf32>
    %add3A_59 = arith.addf %get3A_54, %dot_general3A_58 : vector<64x64xf32>
    %swap3A_60 = arith.constant 0 : index
    %swap3A_61 = arith.constant 0 : index
    %swap3A_62 = vector.load %arg10[%swap3A_60, %swap3A_61] : memref<64x64xf32, #tpu.memory_space<vmem>>, vector<64x64xf32>
    tpu.vector_store %arg10[%swap3A_60, %swap3A_61], %add3A_59 {strides = array<i32>} : memref<64x64xf32, #tpu.memory_space<vmem>>, vector<64x64xf32>,
    %eq3A_63 = arith.constant 9 : i32
    %eq3A_64 = arith.cmpi eq, %arg0, %eq3A_63 : i32
    %convert_element_type3A_65 = arith.extui %eq3A_64 : i1 to i32
    %cond3A_66 = arith.constant 0 : i32
    %cond3A_67 = arith.cmpi ne, %convert_element_type3A_65, %cond3A_66 : i32
    scf.if %cond3A_67 {
      %get3A_68 = arith.constant 0 : index
      %get3A_69 = arith.constant 0 : index
      %get3A_70 = vector.load %arg10[%get3A_68, %get3A_69] : memref<64x64xf32, #tpu.memory_space<vmem>>, vector<64x64xf32>
      %max3A_71 = arith.constant 1.000000e+00 : f32
      %max3A_72 = vector.broadcast %max3A_71 : f32 to vector<64x64xf32>
      %max3A_73 = arith.maximumf %get3A_70, %max3A_72 : vector<64x64xf32>
      %get3A_74 = arith.constant 0 : index
      %get3A_75 = arith.constant 0 : index
      %get3A_76 = vector.load %arg9[%get3A_74, %get3A_75] : memref<64x64xf32, #tpu.memory_space<vmem>>, vector<64x64xf32>
      %div3A = arith.divf %get3A_76, %max3A_73 : vector<64x64xf32>
      %get3A_77 = arith.constant 0 : index
      %get3A_78 = arith.constant 0 : index
      %get3A_79 = vector.load %arg6[%get3A_77, %get3A_78] : memref<64x8xf32, #tpu.memory_space<vmem>>, vector<64x8xf32>
      %dot_general3A_80 = arith.constant dense<0.000000e+00> : vector<64x8xf32>
      %dot_general3A_81 = tpu.matmul %div3A, %get3A_79, %dot_general3A_80 {dimension_numbers = #tpu.dot_dimension_numbers<[1], [0], [0], [1], [0, 0, 1, 1], [], []>, transpose_lhs_hint = false} : vector<64x64xf32>, vector<64x8xf32>, vector<64x8xf32> -> vector<64x8xf32>
      %get3A_82 = arith.constant 0 : index
      %get3A_83 = arith.constant 0 : index
      %get3A_84 = vector.load %arg7[%get3A_82, %get3A_83] : memref<1x8xf32, #tpu.memory_space<vmem>>, vector<1x8xf32>
      %add3A_85 = vector.broadcast %get3A_84 : vector<1x8xf32> to vector<64x8xf32>
      %add3A_86 = arith.addf %dot_general3A_81, %add3A_85 : vector<64x8xf32>
      %swap3A_87 = arith.constant 0 : index
      %swap3A_88 = arith.constant 0 : index
      %swap3A_89 = vector.load %arg8[%swap3A_87, %swap3A_88] : memref<64x8xf32, #tpu.memory_space<vmem>>, vector<64x8xf32>
      tpu.vector_store %arg8[%swap3A_87, %swap3A_88], %add3A_86 {strides = array<i32>} : memref<64x8xf32, #tpu.memory_space<vmem>>, vector<64x8xf32>,
    } else {
    }
    return
  }
  func.func @transform_0(%arg0: i32) -> (i32, i32, i32) {
    %c0_i32 = arith.constant 0 : i32
    %c0_i32_0 = arith.constant 0 : i32
    %c0_i32_1 = arith.constant 0 : i32
    return %c0_i32, %arg0, %c0_i32_0 : i32, i32, i32
  }
  func.func @transform_1(%arg0: i32) -> (i32, i32, i32) {
    %c0_i32 = arith.constant 0 : i32
    %c0_i32_0 = arith.constant 0 : i32
    %c0_i32_1 = arith.constant 0 : i32
    return %c0_i32, %arg0, %c0_i32_0 : i32, i32, i32
  }
  func.func @transform_2(%arg0: i32) -> (i32, i32) {
    %c0_i32 = arith.constant 0 : i32
    %c0_i32_0 = arith.constant 0 : i32
    return %arg0, %c0_i32 : i32, i32
  }
  func.func @transform_3(%arg0: i32) -> (i32, i32) {
    %c0_i32 = arith.constant 0 : i32
    %c0_i32_0 = arith.constant 0 : i32
    %c0_i32_1 = arith.constant 0 : i32
    return %c0_i32, %c0_i32_0 : i32, i32
  }
  func.func @transform_4(%arg0: i32) -> (i32, i32) {
    %c0_i32 = arith.constant 0 : i32
    %c0_i32_0 = arith.constant 0 : i32
    return %arg0, %c0_i32 : i32, i32
  }
  func.func @transform_5(%arg0: i32) -> (i32, i32) {
    %c0_i32 = arith.constant 0 : i32
    %c0_i32_0 = arith.constant 0 : i32
    %c0_i32_1 = arith.constant 0 : i32
    return %c0_i32, %c0_i32_0 : i32, i32
  }
  func.func @transform_6(%arg0: i32) -> (i32, i32) {
    %c0_i32 = arith.constant 0 : i32
    %c0_i32_0 = arith.constant 0 : i32
    %c0_i32_1 = arith.constant 0 : i32
    return %c0_i32, %c0_i32_0 : i32, i32
  }
  func.func @transform_7(%arg0: i32) -> (i32, i32) {
    %c0_i32 = arith.constant 0 : i32
    %c0_i32_0 = arith.constant 0 : i32
    %c0_i32_1 = arith.constant 0 : i32
    return %c0_i32, %c0_i32_0 : i32, i32
  }
}

</mosaic_0001>

<sc_bundles>
// kernel: kernel.12.cloned.1.call-start
scs
__scs_entry_jumppad:
0x0: {  	(pc) =	sbr.rel $0x88, $3  }
0x1: {  	(tag) =	ssettag $0x0;
	lr =	simm.s32 $0x1  }
0x2: {  	[smem:$0x3F98] =	sst lr;
	_ =	strace $0xD0000000  }
0x3: {  	_ = 	snop  }
0x4: {  	_ = 	snop  }
0x5: {  	_ = 	snop  }
0x6: {  	_ = 	snop  }
0x7: {  	_ = 	snop  }
__scs_overlays_trampoline_lowered:
0x8: {  	[smem:$0x3FA7] =	sst s0  }
0x9: {  	[smem:$0x3FA8] =	sst s1  }
0xa: {  	[smem:$0x3FA9] =	sst s2  }
0xb: {  	[smem:$0x3FAA] =	sst s3  }
0xc: {  	[smem:$0x3FAB] =	sst s4  }
0xd: {  	[smem:$0x3FAC] =	sst s5  }
0xe: {  	[smem:$0x3FAD] =	sst s6  }
0xf: {  	[smem:$0x3FAE] =	sst s7  }
0x10: {  	[smem:$0x3FAF] =	sst s8  }
0x11: {  	[smem:$0x3FB0] =	sst s9;
	s0 =	simm.s32 @!p0 $0x0  }
0x12: {  	s1 =	sld [smem:$0x3F96];
	s0 =	simm.s32 @p0 $0x1  }
0x13: {  	[smem:$0x3FB1] =	sst s0;
	s0 =	simm.s32 @!p1 $0x0  }
0x14: {  	s2 =	sld [smem:$0x3F95];
	s0 =	simm.s32 @p1 $0x1  }
0x15: {  	[smem:$0x3FB2] =	sst s0;
	s0 =	simm.s32 @!p2 $0x0  }
0x16: {  	s3 =	sld [smem:$0x3FDB];
	s0 =	simm.s32 @p2 $0x1  }
0x17: {  	s4 =	simm.s32 $0x1BF5;
	[smem:$0x3FB4] =	sst s0  }
0x18: {  	s0 =	sld [smem:$0x3F97];
	_ =	swait.ge [sflag:s4], $0x0  }
0x19: {  	s7 =	sld [smem:$0x3F98]  }
0x1a: {  	s8 =	sadd.s32 $0xFFFFE003, lr  }
0x1b: {  	s9 =	sadd.s32 $0xFFFFFEF7, lr;
	s5 =	simm.s32 $0xFFFFFFFF;
	p2 =	slt.u32 s8, $0xFFFFF086  }
0x1c: {  	p1 =	slt.u32 s9, $0xF7A;
	s5 =	simm.s32 @!p2 $0x0  }
0x1d: {  	s5 =	simm.s32 @p1 $0x1;
	p0 =	seq.s32 s7, s2  }
0x1e: {  	s7 =	smul.u32 @!p0 $0xF7A, s2;
	p2 =	seq.s32 @!p0 s5, $0x0  }
0x1f: {  	s9 =	smul.u32 $0xF7A, s1;
	s8 =	simm.s32 @!p0 $0x1BF5;
	p2 =	por !p2, p0  }
0x20: {  	[sflag:s8] =	ssyncset.s32 @!p0 $0xFFFFF086;
	s6 =	sadd.s32 @!p0 s3, s7;
	s7 =	simm.s32 @!p0 $0x108  }
0x21: {  	s3 =	sadd.s32 s3, s9;
	s6 =	sadd.s32 @!p0 $0x88, s6;
	s7 =	simm.s32 @p2 $0x1082  }
0x22: {  	[simem:s7], [sflag:s8] =	dma.local @!p0 [hbm:s6], $0xF7A  }
0x23: {  	s9 =	sor.u32 $0xD0000000, s2;
	s6 =	simm.s32 $0x108;
	_ =	swait.ge @!p0 [sflag:s8], $0x0  }
0x24: {  	s3 =	sadd.s32 $0x88, s3;
	s6 =	simm.s32 @!p1 $0x1082;
	[sflag:s4] =	ssyncset.s32 $0xFFFFF086  }
0x25: {  	[simem:s6], [sflag:s4] =	dma.local [hbm:s3], $0xF7A  }
0x26: {  	[smem:$0x3F98] =	sst s1;
	(tag) =	ssettag s2;
	_ =	strace s9  }
0x27: {  	s1 =	sld [smem:$0x3FA8]  }
0x28: {  	s2 =	sld [smem:$0x3FA9]  }
0x29: {  	s4 =	sld [smem:$0x3FAB]  }
0x2a: {  	p0 =	seq.s32 s5, $0x0;
	s5 =	sld [smem:$0x3FAC]  }
0x2b: {  	s6 =	sld [smem:$0x3FAD]  }
0x2c: {  	s7 =	sld [smem:$0x3FAE]  }
0x2d: {  	s3 =	simm.s32 $0x108;
	s8 =	sld [smem:$0x3FAF]  }
0x2e: {  	s3 =	simm.s32 @!p0 $0x1082;
	s9 =	sld [smem:$0x3FB0]  }
0x2f: {  	lr =	sadd.s32 s0, s3;
	s0 =	sld [smem:$0x3FA7]  }
0x30: {  	s3 =	sld [smem:$0x3FAA]  }
0x31: {  	[smem:$0x3FB3] =	sst s10  }
0x32: {  	s10 =	sld [smem:$0x3FB1];
	_ =	sdelay $0x3  }
0x33: {  	p0 =	seq.s32 s10, $0x1;
	s10 =	sld [smem:$0x3FB3];
	_ =	sdelay $0x3  }
0x34: {  	[smem:$0x3FB3] =	sst s10  }
0x35: {  	s10 =	sld [smem:$0x3FB2];
	_ =	sdelay $0x3  }
0x36: {  	p1 =	seq.s32 s10, $0x1;
	s10 =	sld [smem:$0x3FB3];
	_ =	sdelay $0x3  }
0x37: {  	[smem:$0x3FB3] =	sst s10  }
0x38: {  	s10 =	sld [smem:$0x3FB4]  }
0x39: {  	_ = 	snop;
	(pc) =	sbr.ind lr, $3  }
0x3a: {  	_ = 	snop  }
0x3b: {  	_ = 	snop  }
0x3c: {  	p2 =	seq.s32 s10, $0x1;
	s10 =	sld [smem:$0x3FB3]  }
0x3d: {  	_ =	shalt  }
0x3e: {  	_ =	shalt  }
0x3f: {  	_ =	shalt  }
0x40: {  	_ =	shalt  }
0x41: {  	_ =	shalt  }
0x42: {  	_ =	shalt  }
0x43: {  	_ =	shalt  }
0x44: {  	_ =	shalt  }
0x45: {  	_ =	shalt  }
0x46: {  	_ =	shalt  }
0x47: {  	_ =	shalt  }
0x48: {  	_ =	shalt  }
0x49: {  	_ =	shalt  }
0x4a: {  	_ =	shalt  }
0x4b: {  	_ =	shalt  }
0x4c: {  	_ =	shalt  }
0x4d: {  	_ =	shalt  }
0x4e: {  	_ =	shalt  }
0x4f: {  	_ =	shalt  }
0x50: {  	_ =	shalt  }
0x51: {  	_ =	shalt  }
0x52: {  	_ =	shalt  }
0x53: {  	_ =	shalt  }
0x54: {  	_ =	shalt  }
0x55: {  	_ =	shalt  }
0x56: {  	_ =	shalt  }
0x57: {  	_ =	shalt  }
0x58: {  	_ =	shalt  }
0x59: {  	_ =	shalt  }
0x5a: {  	_ =	shalt  }
0x5b: {  	_ =	shalt  }
0x5c: {  	_ =	shalt  }
0x5d: {  	_ =	shalt  }
0x5e: {  	_ =	shalt  }
0x5f: {  	_ =	shalt  }
0x60: {  	_ =	shalt  }
0x61: {  	_ =	shalt  }
0x62: {  	_ =	shalt  }
0x63: {  	_ =	shalt  }
0x64: {  	_ =	shalt  }
0x65: {  	_ =	shalt  }
0x66: {  	_ =	shalt  }
0x67: {  	_ =	shalt  }
0x68: {  	_ =	shalt  }
0x69: {  	_ =	shalt  }
0x6a: {  	_ =	shalt  }
0x6b: {  	_ =	shalt  }
0x6c: {  	_ =	shalt  }
0x6d: {  	_ =	shalt  }
0x6e: {  	_ =	shalt  }
0x6f: {  	_ =	shalt  }
0x70: {  	_ =	shalt  }
0x71: {  	_ =	shalt  }
0x72: {  	_ =	shalt  }
0x73: {  	_ =	shalt  }
0x74: {  	_ =	shalt  }
0x75: {  	_ =	shalt  }
0x76: {  	_ =	shalt  }
0x77: {  	_ =	shalt  }
0x78: {  	_ =	shalt  }
0x79: {  	_ =	shalt  }
0x7a: {  	_ =	shalt  }
0x7b: {  	_ =	shalt  }
0x7c: {  	_ =	shalt  }
0x7d: {  	_ =	shalt  }
0x7e: {  	_ =	shalt  }
0x7f: {  	_ =	shalt  }
0x80: {  	_ =	shalt  }
0x81: {  	_ =	shalt  }
0x82: {  	_ =	shalt  }
0x83: {  	_ =	shalt  }
0x84: {  	_ =	shalt  }
0x85: {  	_ =	shalt  }
0x86: {  	_ =	shalt  }
0x87: {  	_ =	shalt  }
.Lfunc_end0:
.L_simem_size_0:
called_computation.1_lowered:
.L_overlay_start_0:
0x88: {  	s2 =	sld [smem:$0x3FD9]  }
0x89: {  	s3 =	sld [smem:$0x3FFE];
	_ =	sdelay $0x1  }
0x8a: {  	s1 =	srdreg.scid  }
0x8b: {  	s0 =	sand.u32 $0x1, s1  }
0x8c: {  	s16 =	sshll.u32 s0, $0xA;
	s2 =	sadd.s32 s3, s2  }
0x8d: {  	s2 =	sadd.s32 s2, s16  }
0x8e: {  	[smem:$0x3FBF] =	sst s2  }
0x8f: {  	_ = 	snop  }
0x90: {  	(tm) =	ssettm $0x1  }
0x91: {  	s17 =	sld [smem:$0x3FFB];
	_ =	sdelay $0x3  }
0x92: {  	_ =	strace s17  }
0x93: {  	s2 =	sld [smem:$0x3FFC];
	_ =	sdelay $0x3  }
0x94: {  	_ =	strace s2  }
0x95: {  	s2 =	sld [smem:$0x3FFD];
	_ =	sdelay $0x3  }
0x96: {  	_ =	strace s2  }
0x97: {  	_ =	strace $0x8FFFFFFF  }
0x98: {  	s18 =	sld [smem:$0x3FDB];
	_ =	sdelay $0x1  }
0x99: {  	s19 =	simm.s32 $_scs_section_size  }
0x9a: {  	s4 =	simm.s32 $_size__tile_overlayer_lowered;
	s5 =	simm.s32 $_tile_overlayer_lowered  }
0x9b: {  	s22 =	simm.s32 $0x1BFF;
	s21 =	sshll.u32 s5, $0x1;
	s2 =	sadd.s32 s19, s18  }
0x9c: {  	s6 =	simm.s32 $0x0;
	s20 =	sshll.u32 s4, $0x1;
	s4 =	sadd.s32 s21, s2  }
0x9d: {  	[timem:s6], [sflag:s22] =	dma.local [hbm:s4], s20  }
0x9e: {  	_ =	swait.ge [sflag:s22], s20  }
0x9f: {  	s3 =	ssub.s32 $0x0, s20;
	[sflag:s22] =	ssyncset.done $0x0  }
0xa0: {  	[sflag:s22] =	ssyncadd.s32 s3;
	_ =	sdelay $0x1  }
0xa1: {  	s23 =	simm.s32 $0x1B8B  }
0xa2: {  	_ =	swait.ge [sflag:s23], $0x1  }
0xa3: {  	[sflag:s23] =	ssyncset.done $0x0  }
0xa4: {  	s25 =	simm.s32 $0x1B8E;
	s24 =	sld [smem:$0x3FFE];
	[sflag:s23] =	ssyncadd.s32 $0xFFFFFFFF  }
0xa5: {  	s26 =	simm.s32 $execute0_lowered;
	[smem:$0x3FD2] =	sst s25  }
0xa6: {  	s4 =	sshll.u32 s26, $0x1;
	_ =	strace $0x80000049;
	[dreg:$0x1] =	wrdreg $0xFFFFFFFF  }
0xa7: {  	s28 =	simm.s32 $_size_execute0_lowered;
	s2 =	sadd.s32 s2, s4;
	[dreg:$0x0] =	wrdreg $0x0  }
0xa8: {  	s4 =	sshll.u32 s28, $0x1;
	[dreg:$0x2] =	wrdreg s2  }
0xa9: {  	[dreg:$0x3] =	wrdreg s4  }
0xaa: {  	[dreg:$0x4] =	wrdreg $0xC0  }
0xab: {  	_ =	task [dreg:s6], $0x5FFFF  }
0xac: {  	[dreg:$0x1] =	wrdreg $0xFFFFFFFF  }
0xad: {  	[dreg:$0x0] =	wrdreg $0x60  }
0xae: {  	[dreg:$0x2] =	wrdreg s24  }
0xaf: {  	[dreg:$0x3] =	wrdreg $0x8E800  }
0xb0: {  	[dreg:$0x4] =	wrdreg $0x12E800  }
0xb1: {  	[dreg:$0x5] =	wrdreg $0x9  }
0xb2: {  	_ =	task.clear_ibuf [dreg:s6], $0x6FFFF;
	_ =	strace $0x90000049  }
0xb3: {  	s29 =	simm.s32 $0x9;
	_ =	strace $0x8000004B  }
0xb4: {  	_ =	swait.ge [sflag:s29], $0x1  }
0xb5: {  	[sflag:s29] =	ssyncadd.s32 $0xFFFFFFFF  }
0xb6: {  	_ =	strace $0x9000004B  }
0xb7: {  	_ =	sfence  }
0xb8: {  	s30 =	sld [smem:$0x0];
	_ =	sdelay $0x2  }
0xb9: {  	s31 =	sshll.u32 s1, $0xD;
	s1 =	sshrl.u32 s1, $0x2  }
0xba: {  	s3 =	sand.u32 $0x4000, s31;
	s1 =	sadd.s32 s1, s30  }
0xbb: {  	s0 =	sor.u32 s3, s0;
	s1 =	sshll.u32 s1, $0x11  }
0xbc: {  	s0 =	sor.u32 s1, s0  }
0xbd: {  	s0 =	sadd.s32 $0x8F2B, s0  }
0xbe: {  	[sflag:s0] =	ssyncadd.remote.s32 $0x1  }
0xbf: {  	_ =	sfence.sel $0xFFFF  }
0xc0: {  	[dreg:$0x0] =	wrdreg $0xFFFFFFFF;
	(pc) =	sbr.abs _section_cstart, $3  }
0xc1: {  	[dreg:$0x1] =	wrdreg $0xFFFFFFFF  }
0xc2: {  	_ =	task.clear_ibuf [dreg:s6], $0x2FFFF;
	_ =	strace $0x9FFFFFFF  }
0xc3: {  	(tm) =	ssettm $0x7FFFFFFF  }
tec
execute0_lowered:
.L_overlay_start_1:
0x0: {  	(tag) =	ssettag $0x1  }
0x1: {  	s6 =	rddreg [dreg:$0x0]  }
0x2: {  	s2 =	rddreg [dreg:$0x1]  }
0x3: {  	s0 =	srdreg.scid;
	s3 =	rddreg [dreg:$0x2];
	s4 =	simm.s32 $0x0  }
0x4: {  	s16 =	simm.s32 $0x7D;
	s17 =	simm.s32 $0x5000;
	s18 =	simm.s32 $0x1  }
0x5: {  	s19 =	simm.s32 $0x6F40;
	s20 =	simm.s32 $0x2;
	s21 =	simm.s32 $0x2780  }
0x6: {  	s22 =	simm.s32 $0x4F00;
	s5 =	sand.u32 $0x1, s0;
	s0 =	stileid.u32  }
0x7: {  	s23 =	simm.s32 $0x4F80;
	s24 =	simm.s32 $0x0;
	s9 =	smul.u32 $0xA000, s0  }
0x8: {  	[smem:$0x7FF] =	sst s4;
	s1 =	sshll.u32 s5, $0x4;
	s10 =	smul.u32 $0xA0000, s5  }
0x9: {  	s30 =	ssub.s32 $0x2, s5;
	s5 =	sadd.s32 $0xBA00, s6;
	s31 =	sshll.u32 s0, $0x6  }
0xa: {  	s7 =	sor.u32 s0, s1;
	s1 =	rddreg [dreg:$0x3];
	_ =	strace $0x8000004A  }
0xb: {  	s12 =	sshrl.u32 s30, $0x1;
	s7 =	smul.u32 $0x500, s7;
	s8 =	sshrl.u32 s9, $0x3  }
0xc: {  	s29 =	sadd.s32 s9, s10;
	s12 =	ssub.s32 s30, s12;
	s15 =	sadd.s32 s9, s3  }
0xd: {  	s14 =	sadd.s32 s9, s2;
	s11 =	sadd.s32 s8, s6;
	s15 =	sshrl.u32 s15, $0x3  }
0xe: {  	s28 =	sadd.s32 s7, s6;
	s7 =	sshrl.u32 s29, $0x3;
	s9 =	sadd.s32 $0x1AE00, s11  }
0xf: {  	s11 =	smax.u32 s12, $0x1;
	s12 =	sshrl.u32 s14, $0x3;
	s14 =	simm.s32 $0x2800  }
0x10: {  	s13 =	sadd.s32 s7, s6;
	s6 =	sor.u32 $0x1C03, s31;
	s7 =	sadd.s32 $0x10E00, s28  }
0x11: {  	s8 =	sadd.s32 $0x1A00, s28;
	s10 =	sadd.s32 $0x2EE00, s13;
	s13 =	simm.s32 $0x3  }
.LBB2_1:
0x12: {  	[spmem:s12], [sflag:s6] =	dma.local [hbm:s5], $0x1400  }
0x13: {  	_ =	swait.ge [sflag:s13], $0x1400  }
0x14: {  	[sflag:s13] =	ssyncset.done $0x0  }
0x15: {  	[sflag:s13] =	ssyncadd.s32 $0xFFFFEC00  }
0x16: {  	[tilespmem:s4], [sflag:$0x3] =	stream.linear.gather [hbm4b:s7+s4], $0x2800, $0x38;
	[tilespmem:$0x1CE80] =	vst v63  }
0x17: {  	_ =	swait.ge [sflag:s13], $0x2800  }
0x18: {  	[sflag:s13] =	ssyncset.done $0x0  }
0x19: {  	[sflag:s13] =	ssyncadd.s32 $0xFFFFD800  }
0x1a: {  	[tilespmem:s14], [sflag:$0x3] =	stream.linear.gather [hbm4b:s8+s4], $0x2800, $0x38;
	[tilespmem:$0x1CE80] =	vst v63  }
0x1b: {  	_ =	swait.ge [sflag:s13], $0x2800  }
0x1c: {  	[sflag:s13] =	ssyncset.done $0x0  }
0x1d: {  	[sflag:s13] =	ssyncadd.s32 $0xFFFFD800  }
0x1e: {  	[spmem:s15], [sflag:s6] =	dma.local [hbm:s9], $0x1400  }
0x1f: {  	_ =	swait.ge [sflag:s13], $0x1400  }
0x20: {  	[sflag:s13] =	ssyncset.done $0x0  }
0x21: {  	[sflag:s13] =	ssyncadd.s32 $0xFFFFEC00  }
0x22: {  	[bflag:$0x0] =	sbarrier.arrive $0xFFFF  }
0x23: {  	[tilespmem:s17], [sflag:$0x1] =	stream.indirect.gather [spmem:s3], $0x40, s4, s16, $0xb8;
	[tilespmem:$0x1CE80] =	vst v63  }
0x24: {  	_ =	swait.ge [sflag:s18], $0x1F40  }
0x25: {  	[sflag:s18] =	ssyncset.done $0x0  }
0x26: {  	s25 =	simm.s32 $0x80;
	[sflag:s18] =	ssyncadd.s32 $0xFFFFE0C0  }
0x27: {  	[tilespmem:s19], [sflag:$0x2] =	stream.indirect.gather [spmem:s3], $0x40, s25, s16, $0xb8;
	[tilespmem:$0x1CE80] =	vst v63  }
0x28: {  	s29 =	simm.s32 $0x2800  }
0x29: {  	[spmem:s2] =	stream.indirect.scatter.add.f32 [tilespmem:s17], [sflag:$0x3], $0x40, s29, s16, $0xb8;
	[tilespmem:$0x1CE80] =	vst v63  }
0x2a: {  	_ =	swait.ge [sflag:s13], $0x1F40  }
0x2b: {  	[sflag:s13] =	ssyncset.done $0x0  }
0x2c: {  	[sflag:s13] =	ssyncadd.s32 $0xFFFFE0C0  }
0x2d: {  	_ =	swait.ge [sflag:s20], $0x1F40  }
0x2e: {  	[sflag:s20] =	ssyncset.done $0x0  }
0x2f: {  	s30 =	simm.s32 $0x100;
	[sflag:s20] =	ssyncadd.s32 $0xFFFFE0C0  }
0x30: {  	[tilespmem:s17], [sflag:$0x1] =	stream.indirect.gather [spmem:s3], $0x40, s30, s16, $0xb8;
	[tilespmem:$0x1CE80] =	vst v63  }
0x31: {  	s31 =	simm.s32 $0x2880  }
0x32: {  	[spmem:s2] =	stream.indirect.scatter.add.f32 [tilespmem:s19], [sflag:$0x3], $0x40, s31, s16, $0xb8;
	[tilespmem:$0x1CE80] =	vst v63  }
0x33: {  	_ =	swait.ge [sflag:s13], $0x1F40  }
0x34: {  	s25 =	simm.s32 $0x400;
	[sflag:s13] =	ssyncset.done $0x0  }
.LBB2_2:
0x35: {  	p0 =	sne.s32 s25, $0x9800  }
0x36: {  	[sflag:s13] =	ssyncadd.s32 $0xFFFFE0C0;
	s26 =	smov.u32 s25;
	s25 =	sadd.s32 $0x400, s25  }
0x37: {  	_ = 	snop  }
0x38: {  	_ =	swait.ge [sflag:s18], $0x1F40  }
0x39: {  	s26 =	sshra.s32 s26, $0x2;
	[sflag:s18] =	ssyncset.done $0x0  }
0x3a: {  	s28 =	sadd.s32 $0x80, s26;
	[sflag:s18] =	ssyncadd.s32 $0xFFFFE0C0  }
0x3b: {  	[tilespmem:s19], [sflag:$0x2] =	stream.indirect.gather [spmem:s3], $0x40, s28, s16, $0xb8;
	[tilespmem:$0x1CE80] =	vst v63  }
0x3c: {  	s28 =	sadd.s32 $0x2800, s26  }
0x3d: {  	[spmem:s2] =	stream.indirect.scatter.add.f32 [tilespmem:s17], [sflag:$0x3], $0x40, s28, s16, $0xb8;
	[tilespmem:$0x1CE80] =	vst v63  }
0x3e: {  	_ =	swait.ge [sflag:s13], $0x1F40  }
0x3f: {  	[sflag:s13] =	ssyncset.done $0x0  }
0x40: {  	[sflag:s13] =	ssyncadd.s32 $0xFFFFE0C0  }
0x41: {  	_ =	swait.ge [sflag:s20], $0x1F40  }
0x42: {  	[sflag:s20] =	ssyncset.done $0x0  }
0x43: {  	s28 =	sadd.s32 $0x100, s26;
	[sflag:s20] =	ssyncadd.s32 $0xFFFFE0C0  }
0x44: {  	[tilespmem:s17], [sflag:$0x1] =	stream.indirect.gather [spmem:s3], $0x40, s28, s16, $0xb8;
	[tilespmem:$0x1CE80] =	vst v63  }
.Ltmp0:
0x45: {  	_ = 	snop;
	(pc) =	sbr.rel @p0 .LBB2_2-.Ltmp0, $4  }
0x46: {  	s26 =	sadd.s32 $0x2880, s26  }
0x47: {  	[spmem:s2] =	stream.indirect.scatter.add.f32 [tilespmem:s19], [sflag:$0x3], $0x40, s26, s16, $0xb8;
	[tilespmem:$0x1CE80] =	vst v63  }
0x48: {  	_ =	swait.ge [sflag:s13], $0x1F40  }
0x49: {  	[sflag:s13] =	ssyncset.done $0x0  }
0x4a: {  	[sflag:s13] =	ssyncadd.s32 $0xFFFFE0C0  }
0x4b: {  	_ =	swait.ge [sflag:s18], $0x1F40  }
0x4c: {  	[sflag:s18] =	ssyncset.done $0x0  }
0x4d: {  	[sflag:s18] =	ssyncadd.s32 $0xFFFFE0C0  }
0x4e: {  	[tilespmem:s19], [sflag:$0x2] =	stream.indirect.gather [spmem:s3], $0x40, s21, s16, $0xb8;
	[tilespmem:$0x1CE80] =	vst v63  }
0x4f: {  	_ = 	snop  }
0x50: {  	[spmem:s2] =	stream.indirect.scatter.add.f32 [tilespmem:s17], [sflag:$0x3], $0x40, s22, s16, $0xb8;
	[tilespmem:$0x1CE80] =	vst v63  }
0x51: {  	_ =	swait.ge [sflag:s13], $0x1F40  }
0x52: {  	[sflag:s13] =	ssyncset.done $0x0  }
0x53: {  	[sflag:s13] =	ssyncadd.s32 $0xFFFFE0C0  }
0x54: {  	_ =	swait.ge [sflag:s20], $0x1F40  }
0x55: {  	[sflag:s20] =	ssyncset.done $0x0  }
0x56: {  	[sflag:s20] =	ssyncadd.s32 $0xFFFFE0C0  }
0x57: {  	[tilespmem:s17], [sflag:$0x1] =	stream.indirect.gather [spmem:s3], $0x40, s21, s16, $0xb8;
	[tilespmem:$0x1CE80] =	vst v63  }
0x58: {  	_ = 	snop  }
0x59: {  	[spmem:s2] =	stream.indirect.scatter.add.f32 [tilespmem:s19], [sflag:$0x3], $0x40, s23, s16, $0xb8;
	[tilespmem:$0x1CE80] =	vst v63  }
0x5a: {  	_ =	swait.ge [sflag:s13], $0x1F40  }
0x5b: {  	[sflag:s13] =	ssyncset.done $0x0  }
0x5c: {  	[sflag:s13] =	ssyncadd.s32 $0xFFFFE0C0  }
0x5d: {  	_ =	swait.ge [sflag:s18], $0x1F40  }
0x5e: {  	s24 =	sadd.s32 $0x1, s24;
	[sflag:s18] =	ssyncset.done $0x0  }
0x5f: {  	p0 =	sne.s32 s24, s11;
	[sflag:s18] =	ssyncadd.s32 $0xFFFFE0C0  }
.Ltmp1:
0x60: {  	[bflag:$0x0] =	sbarrier.arrive $0xFFFF;
	(pc) =	sbr.rel @p0 .LBB2_1-.Ltmp1, $4  }
0x61: {  	[hbm:s10], [sflag:s6] =	dma.local [spmem:s12], $0x1400  }
0x62: {  	_ =	swait.ge [sflag:s13], $0x1400  }
0x63: {  	[sflag:s13] =	ssyncset.done $0x0  }
0x64: {  	[sflag:s13] =	ssyncadd.s32 $0xFFFFEC00  }
0x65: {  	_ =	sfence.sel $0x180000  }
0x66: {  	[bflag:$0x0] =	sbarrier.arrive $0xFFFF  }
0x67: {  	p0 =	sne.s32 s0, $0x0;
	_ =	strace $0x9000004A  }
0x68: {  	s0 =	sadd.s32 @!p0 $0x100000, s1;
	[bflag:$0x2] =	sbarrier.arrive $0xFFFF  }
0x69: {  	[sflag:s0] =	ssyncadd.tile.s32 @!p0 $0x1;
	_ =	shalt  }
.Lfunc_end2:
_tile_overlayer_lowered:
.L_overlay_start_2:
0x6a: {  	(tag) =	ssettag $0x2  }
0x6b: {  	s0 =	rddreg [dreg:$0x0];
	s2 =	stileid.u32  }
0x6c: {  	s1 =	rddreg [dreg:$0x1];
	p0 =	sne.s32 s2, $0x0  }
0x6d: {  	s3 =	rddreg [dreg:$0x2];
	[bflag:$0x3] =	sbarrier.arrive $0xFFFF;
	s2 =	simm.s32 @!p0 $0x1C03  }
0x6e: {  	[timem:s3], [sflag:s2] =	dma.local @!p0 [hbm:s0], s1  }
0x6f: {  	s0 =	simm.s32 @!p0 $0x3  }
0x70: {  	_ =	swait.ge @!p0 [sflag:s0], s1  }
0x71: {  	s1 =	ssub.s32 @!p0 $0x0, s1;
	[sflag:s0] =	ssyncset.done @!p0 $0x0  }
0x72: {  	[sflag:s0] =	ssyncadd.s32 @!p0 s1  }
0x73: {  	[bflag:$0x3] =	sbarrier.arrive $0xFFFF  }
0x74: {  	_ =	shalt  }

// kernel: kernel.15.cloned.1.call-start
scs
__scs_entry_jumppad:
0x0: {  	(pc) =	sbr.rel $0x88, $3  }
0x1: {  	(tag) =	ssettag $0x0;
	lr =	simm.s32 $0x1  }
0x2: {  	[smem:$0x3F98] =	sst lr;
	_ =	strace $0xD0000000  }
0x3: {  	_ = 	snop  }
0x4: {  	_ = 	snop  }
0x5: {  	_ = 	snop  }
0x6: {  	_ = 	snop  }
0x7: {  	_ = 	snop  }
__scs_overlays_trampoline_lowered:
0x8: {  	[smem:$0x3FA7] =	sst s0  }
0x9: {  	[smem:$0x3FA8] =	sst s1  }
0xa: {  	[smem:$0x3FA9] =	sst s2  }
0xb: {  	[smem:$0x3FAA] =	sst s3  }
0xc: {  	[smem:$0x3FAB] =	sst s4  }
0xd: {  	[smem:$0x3FAC] =	sst s5  }
0xe: {  	[smem:$0x3FAD] =	sst s6  }
0xf: {  	[smem:$0x3FAE] =	sst s7  }
0x10: {  	[smem:$0x3FAF] =	sst s8  }
0x11: {  	[smem:$0x3FB0] =	sst s9;
	s0 =	simm.s32 @!p0 $0x0  }
0x12: {  	s1 =	sld [smem:$0x3F96];
	s0 =	simm.s32 @p0 $0x1  }
0x13: {  	[smem:$0x3FB1] =	sst s0;
	s0 =	simm.s32 @!p1 $0x0  }
0x14: {  	s2 =	sld [smem:$0x3F95];
	s0 =	simm.s32 @p1 $0x1  }
0x15: {  	[smem:$0x3FB2] =	sst s0;
	s0 =	simm.s32 @!p2 $0x0  }
0x16: {  	s3 =	sld [smem:$0x3FDB];
	s0 =	simm.s32 @p2 $0x1  }
0x17: {  	s4 =	simm.s32 $0x1BF5;
	[smem:$0x3FB4] =	sst s0  }
0x18: {  	s0 =	sld [smem:$0x3F97];
	_ =	swait.ge [sflag:s4], $0x0  }
0x19: {  	s7 =	sld [smem:$0x3F98]  }
0x1a: {  	s8 =	sadd.s32 $0xFFFFE003, lr  }
0x1b: {  	s9 =	sadd.s32 $0xFFFFFEF7, lr;
	s5 =	simm.s32 $0xFFFFFFFF;
	p2 =	slt.u32 s8, $0xFFFFF086  }
0x1c: {  	p1 =	slt.u32 s9, $0xF7A;
	s5 =	simm.s32 @!p2 $0x0  }
0x1d: {  	s5 =	simm.s32 @p1 $0x1;
	p0 =	seq.s32 s7, s2  }
0x1e: {  	s7 =	smul.u32 @!p0 $0xF7A, s2;
	p2 =	seq.s32 @!p0 s5, $0x0  }
0x1f: {  	s9 =	smul.u32 $0xF7A, s1;
	s8 =	simm.s32 @!p0 $0x1BF5;
	p2 =	por !p2, p0  }
0x20: {  	[sflag:s8] =	ssyncset.s32 @!p0 $0xFFFFF086;
	s6 =	sadd.s32 @!p0 s3, s7;
	s7 =	simm.s32 @!p0 $0x108  }
0x21: {  	s3 =	sadd.s32 s3, s9;
	s6 =	sadd.s32 @!p0 $0x88, s6;
	s7 =	simm.s32 @p2 $0x1082  }
0x22: {  	[simem:s7], [sflag:s8] =	dma.local @!p0 [hbm:s6], $0xF7A  }
0x23: {  	s9 =	sor.u32 $0xD0000000, s2;
	s6 =	simm.s32 $0x108;
	_ =	swait.ge @!p0 [sflag:s8], $0x0  }
0x24: {  	s3 =	sadd.s32 $0x88, s3;
	s6 =	simm.s32 @!p1 $0x1082;
	[sflag:s4] =	ssyncset.s32 $0xFFFFF086  }
0x25: {  	[simem:s6], [sflag:s4] =	dma.local [hbm:s3], $0xF7A  }
0x26: {  	[smem:$0x3F98] =	sst s1;
	(tag) =	ssettag s2;
	_ =	strace s9  }
0x27: {  	s1 =	sld [smem:$0x3FA8]  }
0x28: {  	s2 =	sld [smem:$0x3FA9]  }
0x29: {  	s4 =	sld [smem:$0x3FAB]  }
0x2a: {  	p0 =	seq.s32 s5, $0x0;
	s5 =	sld [smem:$0x3FAC]  }
0x2b: {  	s6 =	sld [smem:$0x3FAD]  }
0x2c: {  	s7 =	sld [smem:$0x3FAE]  }
0x2d: {  	s3 =	simm.s32 $0x108;
	s8 =	sld [smem:$0x3FAF]  }
0x2e: {  	s3 =	simm.s32 @!p0 $0x1082;
	s9 =	sld [smem:$0x3FB0]  }
0x2f: {  	lr =	sadd.s32 s0, s3;
	s0 =	sld [smem:$0x3FA7]  }
0x30: {  	s3 =	sld [smem:$0x3FAA]  }
0x31: {  	[smem:$0x3FB3] =	sst s10  }
0x32: {  	s10 =	sld [smem:$0x3FB1];
	_ =	sdelay $0x3  }
0x33: {  	p0 =	seq.s32 s10, $0x1;
	s10 =	sld [smem:$0x3FB3];
	_ =	sdelay $0x3  }
0x34: {  	[smem:$0x3FB3] =	sst s10  }
0x35: {  	s10 =	sld [smem:$0x3FB2];
	_ =	sdelay $0x3  }
0x36: {  	p1 =	seq.s32 s10, $0x1;
	s10 =	sld [smem:$0x3FB3];
	_ =	sdelay $0x3  }
0x37: {  	[smem:$0x3FB3] =	sst s10  }
0x38: {  	s10 =	sld [smem:$0x3FB4]  }
0x39: {  	_ = 	snop;
	(pc) =	sbr.ind lr, $3  }
0x3a: {  	_ = 	snop  }
0x3b: {  	_ = 	snop  }
0x3c: {  	p2 =	seq.s32 s10, $0x1;
	s10 =	sld [smem:$0x3FB3]  }
0x3d: {  	_ =	shalt  }
0x3e: {  	_ =	shalt  }
0x3f: {  	_ =	shalt  }
0x40: {  	_ =	shalt  }
0x41: {  	_ =	shalt  }
0x42: {  	_ =	shalt  }
0x43: {  	_ =	shalt  }
0x44: {  	_ =	shalt  }
0x45: {  	_ =	shalt  }
0x46: {  	_ =	shalt  }
0x47: {  	_ =	shalt  }
0x48: {  	_ =	shalt  }
0x49: {  	_ =	shalt  }
0x4a: {  	_ =	shalt  }
0x4b: {  	_ =	shalt  }
0x4c: {  	_ =	shalt  }
0x4d: {  	_ =	shalt  }
0x4e: {  	_ =	shalt  }
0x4f: {  	_ =	shalt  }
0x50: {  	_ =	shalt  }
0x51: {  	_ =	shalt  }
0x52: {  	_ =	shalt  }
0x53: {  	_ =	shalt  }
0x54: {  	_ =	shalt  }
0x55: {  	_ =	shalt  }
0x56: {  	_ =	shalt  }
0x57: {  	_ =	shalt  }
0x58: {  	_ =	shalt  }
0x59: {  	_ =	shalt  }
0x5a: {  	_ =	shalt  }
0x5b: {  	_ =	shalt  }
0x5c: {  	_ =	shalt  }
0x5d: {  	_ =	shalt  }
0x5e: {  	_ =	shalt  }
0x5f: {  	_ =	shalt  }
0x60: {  	_ =	shalt  }
0x61: {  	_ =	shalt  }
0x62: {  	_ =	shalt  }
0x63: {  	_ =	shalt  }
0x64: {  	_ =	shalt  }
0x65: {  	_ =	shalt  }
0x66: {  	_ =	shalt  }
0x67: {  	_ =	shalt  }
0x68: {  	_ =	shalt  }
0x69: {  	_ =	shalt  }
0x6a: {  	_ =	shalt  }
0x6b: {  	_ =	shalt  }
0x6c: {  	_ =	shalt  }
0x6d: {  	_ =	shalt  }
0x6e: {  	_ =	shalt  }
0x6f: {  	_ =	shalt  }
0x70: {  	_ =	shalt  }
0x71: {  	_ =	shalt  }
0x72: {  	_ =	shalt  }
0x73: {  	_ =	shalt  }
0x74: {  	_ =	shalt  }
0x75: {  	_ =	shalt  }
0x76: {  	_ =	shalt  }
0x77: {  	_ =	shalt  }
0x78: {  	_ =	shalt  }
0x79: {  	_ =	shalt  }
0x7a: {  	_ =	shalt  }
0x7b: {  	_ =	shalt  }
0x7c: {  	_ =	shalt  }
0x7d: {  	_ =	shalt  }
0x7e: {  	_ =	shalt  }
0x7f: {  	_ =	shalt  }
0x80: {  	_ =	shalt  }
0x81: {  	_ =	shalt  }
0x82: {  	_ =	shalt  }
0x83: {  	_ =	shalt  }
0x84: {  	_ =	shalt  }
0x85: {  	_ =	shalt  }
0x86: {  	_ =	shalt  }
0x87: {  	_ =	shalt  }
.Lfunc_end0:
.L_simem_size_0:
called_computation.2_lowered:
.L_overlay_start_0:
0x88: {  	s2 =	sld [smem:$0x3FD9]  }
0x89: {  	s3 =	sld [smem:$0x3FFE];
	_ =	sdelay $0x1  }
0x8a: {  	s1 =	srdreg.scid  }
0x8b: {  	s0 =	sand.u32 $0x1, s1  }
0x8c: {  	s16 =	sshll.u32 s0, $0xA;
	s2 =	sadd.s32 s3, s2  }
0x8d: {  	s2 =	sadd.s32 s2, s16  }
0x8e: {  	[smem:$0x3FBF] =	sst s2  }
0x8f: {  	_ = 	snop  }
0x90: {  	(tm) =	ssettm $0x1  }
0x91: {  	s17 =	sld [smem:$0x3FFB];
	_ =	sdelay $0x3  }
0x92: {  	_ =	strace s17  }
0x93: {  	s2 =	sld [smem:$0x3FFC];
	_ =	sdelay $0x3  }
0x94: {  	_ =	strace s2  }
0x95: {  	s2 =	sld [smem:$0x3FFD];
	_ =	sdelay $0x3  }
0x96: {  	_ =	strace s2  }
0x97: {  	_ =	strace $0x8FFFFFFF  }
0x98: {  	s18 =	sld [smem:$0x3FDB];
	_ =	sdelay $0x1  }
0x99: {  	s19 =	simm.s32 $_scs_section_size  }
0x9a: {  	s4 =	simm.s32 $_size__tile_overlayer_lowered;
	s5 =	simm.s32 $_tile_overlayer_lowered  }
0x9b: {  	s22 =	simm.s32 $0x1BFF;
	s21 =	sshll.u32 s5, $0x1;
	s2 =	sadd.s32 s19, s18  }
0x9c: {  	s6 =	simm.s32 $0x0;
	s20 =	sshll.u32 s4, $0x1;
	s4 =	sadd.s32 s21, s2  }
0x9d: {  	[timem:s6], [sflag:s22] =	dma.local [hbm:s4], s20  }
0x9e: {  	_ =	swait.ge [sflag:s22], s20  }
0x9f: {  	s3 =	ssub.s32 $0x0, s20;
	[sflag:s22] =	ssyncset.done $0x0  }
0xa0: {  	[sflag:s22] =	ssyncadd.s32 s3;
	_ =	sdelay $0x1  }
0xa1: {  	s23 =	simm.s32 $0x1B8B  }
0xa2: {  	_ =	swait.ge [sflag:s23], $0x1  }
0xa3: {  	[sflag:s23] =	ssyncset.done $0x0  }
0xa4: {  	s25 =	simm.s32 $0x1B8E;
	s24 =	sld [smem:$0x3FFE];
	[sflag:s23] =	ssyncadd.s32 $0xFFFFFFFF  }
0xa5: {  	s26 =	simm.s32 $execute0_lowered;
	[smem:$0x3FD2] =	sst s25  }
0xa6: {  	s4 =	sshll.u32 s26, $0x1;
	_ =	strace $0x8000004C;
	[dreg:$0x1] =	wrdreg $0xFFFFFFFF  }
0xa7: {  	s28 =	simm.s32 $_size_execute0_lowered;
	s2 =	sadd.s32 s2, s4;
	[dreg:$0x0] =	wrdreg $0x0  }
0xa8: {  	s4 =	sshll.u32 s28, $0x1;
	[dreg:$0x2] =	wrdreg s2  }
0xa9: {  	[dreg:$0x3] =	wrdreg s4  }
0xaa: {  	[dreg:$0x4] =	wrdreg $0xC0  }
0xab: {  	_ =	task [dreg:s6], $0x5FFFF  }
0xac: {  	[dreg:$0x1] =	wrdreg $0xFFFFFFFF  }
0xad: {  	[dreg:$0x0] =	wrdreg $0x60  }
0xae: {  	[dreg:$0x2] =	wrdreg s24  }
0xaf: {  	[dreg:$0x3] =	wrdreg $0x8E800  }
0xb0: {  	[dreg:$0x4] =	wrdreg $0x12E800  }
0xb1: {  	[dreg:$0x5] =	wrdreg $0x9  }
0xb2: {  	_ =	task.clear_ibuf [dreg:s6], $0x6FFFF;
	_ =	strace $0x9000004C  }
0xb3: {  	s29 =	simm.s32 $0x9;
	_ =	strace $0x8000004E  }
0xb4: {  	_ =	swait.ge [sflag:s29], $0x1  }
0xb5: {  	[sflag:s29] =	ssyncadd.s32 $0xFFFFFFFF  }
0xb6: {  	_ =	strace $0x9000004E  }
0xb7: {  	_ =	sfence  }
0xb8: {  	s30 =	sld [smem:$0x0];
	_ =	sdelay $0x2  }
0xb9: {  	s31 =	sshll.u32 s1, $0xD;
	s1 =	sshrl.u32 s1, $0x2  }
0xba: {  	s3 =	sand.u32 $0x4000, s31;
	s1 =	sadd.s32 s1, s30  }
0xbb: {  	s0 =	sor.u32 s3, s0;
	s1 =	sshll.u32 s1, $0x11  }
0xbc: {  	s0 =	sor.u32 s1, s0  }
0xbd: {  	s0 =	sadd.s32 $0x8F2B, s0  }
0xbe: {  	[sflag:s0] =	ssyncadd.remote.s32 $0x1  }
0xbf: {  	_ =	sfence.sel $0xFFFF  }
0xc0: {  	[dreg:$0x0] =	wrdreg $0xFFFFFFFF;
	(pc) =	sbr.abs _section_cstart, $3  }
0xc1: {  	[dreg:$0x1] =	wrdreg $0xFFFFFFFF  }
0xc2: {  	_ =	task.clear_ibuf [dreg:s6], $0x2FFFF;
	_ =	strace $0x9FFFFFFF  }
0xc3: {  	(tm) =	ssettm $0x7FFFFFFF  }
tec
execute0_lowered:
.L_overlay_start_1:
0x0: {  	(tag) =	ssettag $0x1  }
0x1: {  	s6 =	rddreg [dreg:$0x0]  }
0x2: {  	s2 =	rddreg [dreg:$0x1]  }
0x3: {  	s0 =	srdreg.scid;
	s3 =	rddreg [dreg:$0x2];
	s4 =	simm.s32 $0x0  }
0x4: {  	s16 =	simm.s32 $0x7D;
	s17 =	simm.s32 $0x5000;
	s18 =	simm.s32 $0x1  }
0x5: {  	s19 =	simm.s32 $0x6F40;
	s20 =	simm.s32 $0x2;
	s21 =	simm.s32 $0x2780  }
0x6: {  	s22 =	simm.s32 $0x4F00;
	s5 =	sand.u32 $0x1, s0;
	s0 =	stileid.u32  }
0x7: {  	s23 =	simm.s32 $0x4F80;
	s24 =	simm.s32 $0x0;
	s9 =	smul.u32 $0xA000, s0  }
0x8: {  	[smem:$0x7FF] =	sst s4;
	s1 =	sshll.u32 s5, $0x4;
	s10 =	smul.u32 $0xA0000, s5  }
0x9: {  	s30 =	ssub.s32 $0x2, s5;
	s5 =	sadd.s32 $0xBA00, s6;
	s31 =	sshll.u32 s0, $0x6  }
0xa: {  	s7 =	sor.u32 s0, s1;
	s1 =	rddreg [dreg:$0x3];
	_ =	strace $0x8000004D  }
0xb: {  	s12 =	sshrl.u32 s30, $0x1;
	s7 =	smul.u32 $0x500, s7;
	s8 =	sshrl.u32 s9, $0x3  }
0xc: {  	s29 =	sadd.s32 s9, s10;
	s12 =	ssub.s32 s30, s12;
	s15 =	sadd.s32 s9, s3  }
0xd: {  	s14 =	sadd.s32 s9, s2;
	s11 =	sadd.s32 s8, s6;
	s15 =	sshrl.u32 s15, $0x3  }
0xe: {  	s28 =	sadd.s32 s7, s6;
	s7 =	sshrl.u32 s29, $0x3;
	s9 =	sadd.s32 $0x1AE00, s11  }
0xf: {  	s11 =	smax.u32 s12, $0x1;
	s12 =	sshrl.u32 s14, $0x3;
	s14 =	simm.s32 $0x2800  }
0x10: {  	s13 =	sadd.s32 s7, s6;
	s6 =	sor.u32 $0x1C03, s31;
	s7 =	sadd.s32 $0x10E00, s28  }
0x11: {  	s8 =	sadd.s32 $0x1A00, s28;
	s10 =	sadd.s32 $0x2EE00, s13;
	s13 =	simm.s32 $0x3  }
.LBB2_1:
0x12: {  	[spmem:s12], [sflag:s6] =	dma.local [hbm:s5], $0x1400  }
0x13: {  	_ =	swait.ge [sflag:s13], $0x1400  }
0x14: {  	[sflag:s13] =	ssyncset.done $0x0  }
0x15: {  	[sflag:s13] =	ssyncadd.s32 $0xFFFFEC00  }
0x16: {  	[tilespmem:s4], [sflag:$0x3] =	stream.linear.gather [hbm4b:s7+s4], $0x2800, $0x38;
	[tilespmem:$0x1CE80] =	vst v63  }
0x17: {  	_ =	swait.ge [sflag:s13], $0x2800  }
0x18: {  	[sflag:s13] =	ssyncset.done $0x0  }
0x19: {  	[sflag:s13] =	ssyncadd.s32 $0xFFFFD800  }
0x1a: {  	[tilespmem:s14], [sflag:$0x3] =	stream.linear.gather [hbm4b:s8+s4], $0x2800, $0x38;
	[tilespmem:$0x1CE80] =	vst v63  }
0x1b: {  	_ =	swait.ge [sflag:s13], $0x2800  }
0x1c: {  	[sflag:s13] =	ssyncset.done $0x0  }
0x1d: {  	[sflag:s13] =	ssyncadd.s32 $0xFFFFD800  }
0x1e: {  	[spmem:s15], [sflag:s6] =	dma.local [hbm:s9], $0x1400  }
0x1f: {  	_ =	swait.ge [sflag:s13], $0x1400  }
0x20: {  	[sflag:s13] =	ssyncset.done $0x0  }
0x21: {  	[sflag:s13] =	ssyncadd.s32 $0xFFFFEC00  }
0x22: {  	[bflag:$0x0] =	sbarrier.arrive $0xFFFF  }
0x23: {  	[tilespmem:s17], [sflag:$0x1] =	stream.indirect.gather [spmem:s3], $0x40, s4, s16, $0xb8;
	[tilespmem:$0x1CE80] =	vst v63  }
0x24: {  	_ =	swait.ge [sflag:s18], $0x1F40  }
0x25: {  	[sflag:s18] =	ssyncset.done $0x0  }
0x26: {  	s25 =	simm.s32 $0x80;
	[sflag:s18] =	ssyncadd.s32 $0xFFFFE0C0  }
0x27: {  	[tilespmem:s19], [sflag:$0x2] =	stream.indirect.gather [spmem:s3], $0x40, s25, s16, $0xb8;
	[tilespmem:$0x1CE80] =	vst v63  }
0x28: {  	s29 =	simm.s32 $0x2800  }
0x29: {  	[spmem:s2] =	stream.indirect.scatter.add.f32 [tilespmem:s17], [sflag:$0x3], $0x40, s29, s16, $0xb8;
	[tilespmem:$0x1CE80] =	vst v63  }
0x2a: {  	_ =	swait.ge [sflag:s13], $0x1F40  }
0x2b: {  	[sflag:s13] =	ssyncset.done $0x0  }
0x2c: {  	[sflag:s13] =	ssyncadd.s32 $0xFFFFE0C0  }
0x2d: {  	_ =	swait.ge [sflag:s20], $0x1F40  }
0x2e: {  	[sflag:s20] =	ssyncset.done $0x0  }
0x2f: {  	s30 =	simm.s32 $0x100;
	[sflag:s20] =	ssyncadd.s32 $0xFFFFE0C0  }
0x30: {  	[tilespmem:s17], [sflag:$0x1] =	stream.indirect.gather [spmem:s3], $0x40, s30, s16, $0xb8;
	[tilespmem:$0x1CE80] =	vst v63  }
0x31: {  	s31 =	simm.s32 $0x2880  }
0x32: {  	[spmem:s2] =	stream.indirect.scatter.add.f32 [tilespmem:s19], [sflag:$0x3], $0x40, s31, s16, $0xb8;
	[tilespmem:$0x1CE80] =	vst v63  }
0x33: {  	_ =	swait.ge [sflag:s13], $0x1F40  }
0x34: {  	s25 =	simm.s32 $0x400;
	[sflag:s13] =	ssyncset.done $0x0  }
.LBB2_2:
0x35: {  	p0 =	sne.s32 s25, $0x9800  }
0x36: {  	[sflag:s13] =	ssyncadd.s32 $0xFFFFE0C0;
	s26 =	smov.u32 s25;
	s25 =	sadd.s32 $0x400, s25  }
0x37: {  	_ = 	snop  }
0x38: {  	_ =	swait.ge [sflag:s18], $0x1F40  }
0x39: {  	s26 =	sshra.s32 s26, $0x2;
	[sflag:s18] =	ssyncset.done $0x0  }
0x3a: {  	s28 =	sadd.s32 $0x80, s26;
	[sflag:s18] =	ssyncadd.s32 $0xFFFFE0C0  }
0x3b: {  	[tilespmem:s19], [sflag:$0x2] =	stream.indirect.gather [spmem:s3], $0x40, s28, s16, $0xb8;
	[tilespmem:$0x1CE80] =	vst v63  }
0x3c: {  	s28 =	sadd.s32 $0x2800, s26  }
0x3d: {  	[spmem:s2] =	stream.indirect.scatter.add.f32 [tilespmem:s17], [sflag:$0x3], $0x40, s28, s16, $0xb8;
	[tilespmem:$0x1CE80] =	vst v63  }
0x3e: {  	_ =	swait.ge [sflag:s13], $0x1F40  }
0x3f: {  	[sflag:s13] =	ssyncset.done $0x0  }
0x40: {  	[sflag:s13] =	ssyncadd.s32 $0xFFFFE0C0  }
0x41: {  	_ =	swait.ge [sflag:s20], $0x1F40  }
0x42: {  	[sflag:s20] =	ssyncset.done $0x0  }
0x43: {  	s28 =	sadd.s32 $0x100, s26;
	[sflag:s20] =	ssyncadd.s32 $0xFFFFE0C0  }
0x44: {  	[tilespmem:s17], [sflag:$0x1] =	stream.indirect.gather [spmem:s3], $0x40, s28, s16, $0xb8;
	[tilespmem:$0x1CE80] =	vst v63  }
.Ltmp0:
0x45: {  	_ = 	snop;
	(pc) =	sbr.rel @p0 .LBB2_2-.Ltmp0, $4  }
0x46: {  	s26 =	sadd.s32 $0x2880, s26  }
0x47: {  	[spmem:s2] =	stream.indirect.scatter.add.f32 [tilespmem:s19], [sflag:$0x3], $0x40, s26, s16, $0xb8;
	[tilespmem:$0x1CE80] =	vst v63  }
0x48: {  	_ =	swait.ge [sflag:s13], $0x1F40  }
0x49: {  	[sflag:s13] =	ssyncset.done $0x0  }
0x4a: {  	[sflag:s13] =	ssyncadd.s32 $0xFFFFE0C0  }
0x4b: {  	_ =	swait.ge [sflag:s18], $0x1F40  }
0x4c: {  	[sflag:s18] =	ssyncset.done $0x0  }
0x4d: {  	[sflag:s18] =	ssyncadd.s32 $0xFFFFE0C0  }
0x4e: {  	[tilespmem:s19], [sflag:$0x2] =	stream.indirect.gather [spmem:s3], $0x40, s21, s16, $0xb8;
	[tilespmem:$0x1CE80] =	vst v63  }
0x4f: {  	_ = 	snop  }
0x50: {  	[spmem:s2] =	stream.indirect.scatter.add.f32 [tilespmem:s17], [sflag:$0x3], $0x40, s22, s16, $0xb8;
	[tilespmem:$0x1CE80] =	vst v63  }
0x51: {  	_ =	swait.ge [sflag:s13], $0x1F40  }
0x52: {  	[sflag:s13] =	ssyncset.done $0x0  }
0x53: {  	[sflag:s13] =	ssyncadd.s32 $0xFFFFE0C0  }
0x54: {  	_ =	swait.ge [sflag:s20], $0x1F40  }
0x55: {  	[sflag:s20] =	ssyncset.done $0x0  }
0x56: {  	[sflag:s20] =	ssyncadd.s32 $0xFFFFE0C0  }
0x57: {  	[tilespmem:s17], [sflag:$0x1] =	stream.indirect.gather [spmem:s3], $0x40, s21, s16, $0xb8;
	[tilespmem:$0x1CE80] =	vst v63  }
0x58: {  	_ = 	snop  }
0x59: {  	[spmem:s2] =	stream.indirect.scatter.add.f32 [tilespmem:s19], [sflag:$0x3], $0x40, s23, s16, $0xb8;
	[tilespmem:$0x1CE80] =	vst v63  }
0x5a: {  	_ =	swait.ge [sflag:s13], $0x1F40  }
0x5b: {  	[sflag:s13] =	ssyncset.done $0x0  }
0x5c: {  	[sflag:s13] =	ssyncadd.s32 $0xFFFFE0C0  }
0x5d: {  	_ =	swait.ge [sflag:s18], $0x1F40  }
0x5e: {  	s24 =	sadd.s32 $0x1, s24;
	[sflag:s18] =	ssyncset.done $0x0  }
0x5f: {  	p0 =	sne.s32 s24, s11;
	[sflag:s18] =	ssyncadd.s32 $0xFFFFE0C0  }
.Ltmp1:
0x60: {  	[bflag:$0x0] =	sbarrier.arrive $0xFFFF;
	(pc) =	sbr.rel @p0 .LBB2_1-.Ltmp1, $4  }
0x61: {  	[hbm:s10], [sflag:s6] =	dma.local [spmem:s12], $0x1400  }
0x62: {  	_ =	swait.ge [sflag:s13], $0x1400  }
0x63: {  	[sflag:s13] =	ssyncset.done $0x0  }
0x64: {  	[sflag:s13] =	ssyncadd.s32 $0xFFFFEC00  }
0x65: {  	_ =	sfence.sel $0x180000  }
0x66: {  	[bflag:$0x0] =	sbarrier.arrive $0xFFFF  }
0x67: {  	p0 =	sne.s32 s0, $0x0;
	_ =	strace $0x9000004D  }
0x68: {  	s0 =	sadd.s32 @!p0 $0x100000, s1;
	[bflag:$0x2] =	sbarrier.arrive $0xFFFF  }
0x69: {  	[sflag:s0] =	ssyncadd.tile.s32 @!p0 $0x1;
	_ =	shalt  }
.Lfunc_end2:
_tile_overlayer_lowered:
.L_overlay_start_2:
0x6a: {  	(tag) =	ssettag $0x2  }
0x6b: {  	s0 =	rddreg [dreg:$0x0];
	s2 =	stileid.u32  }
0x6c: {  	s1 =	rddreg [dreg:$0x1];
	p0 =	sne.s32 s2, $0x0  }
0x6d: {  	s3 =	rddreg [dreg:$0x2];
	[bflag:$0x3] =	sbarrier.arrive $0xFFFF;
	s2 =	simm.s32 @!p0 $0x1C03  }
0x6e: {  	[timem:s3], [sflag:s2] =	dma.local @!p0 [hbm:s0], s1  }
0x6f: {  	s0 =	simm.s32 @!p0 $0x3  }
0x70: {  	_ =	swait.ge @!p0 [sflag:s0], s1  }
0x71: {  	s1 =	ssub.s32 @!p0 $0x0, s1;
	[sflag:s0] =	ssyncset.done @!p0 $0x0  }
0x72: {  	[sflag:s0] =	ssyncadd.s32 @!p0 s1  }
0x73: {  	[bflag:$0x3] =	sbarrier.arrive $0xFFFF  }
0x74: {  	_ =	shalt  }

// kernel: kernel.9.cloned.1.call-start
scs
__scs_entry_jumppad:
0x0: {  	(pc) =	sbr.rel $0x88, $3  }
0x1: {  	(tag) =	ssettag $0x0;
	lr =	simm.s32 $0x1  }
0x2: {  	[smem:$0x3F98] =	sst lr;
	_ =	strace $0xD0000000  }
0x3: {  	_ = 	snop  }
0x4: {  	_ = 	snop  }
0x5: {  	_ = 	snop  }
0x6: {  	_ = 	snop  }
0x7: {  	_ = 	snop  }
__scs_overlays_trampoline_lowered:
0x8: {  	[smem:$0x3FA7] =	sst s0  }
0x9: {  	[smem:$0x3FA8] =	sst s1  }
0xa: {  	[smem:$0x3FA9] =	sst s2  }
0xb: {  	[smem:$0x3FAA] =	sst s3  }
0xc: {  	[smem:$0x3FAB] =	sst s4  }
0xd: {  	[smem:$0x3FAC] =	sst s5  }
0xe: {  	[smem:$0x3FAD] =	sst s6  }
0xf: {  	[smem:$0x3FAE] =	sst s7  }
0x10: {  	[smem:$0x3FAF] =	sst s8  }
0x11: {  	[smem:$0x3FB0] =	sst s9;
	s0 =	simm.s32 @!p0 $0x0  }
0x12: {  	s1 =	sld [smem:$0x3F96];
	s0 =	simm.s32 @p0 $0x1  }
0x13: {  	[smem:$0x3FB1] =	sst s0;
	s0 =	simm.s32 @!p1 $0x0  }
0x14: {  	s2 =	sld [smem:$0x3F95];
	s0 =	simm.s32 @p1 $0x1  }
0x15: {  	[smem:$0x3FB2] =	sst s0;
	s0 =	simm.s32 @!p2 $0x0  }
0x16: {  	s3 =	sld [smem:$0x3FDB];
	s0 =	simm.s32 @p2 $0x1  }
0x17: {  	s4 =	simm.s32 $0x1BF5;
	[smem:$0x3FB4] =	sst s0  }
0x18: {  	s0 =	sld [smem:$0x3F97];
	_ =	swait.ge [sflag:s4], $0x0  }
0x19: {  	s7 =	sld [smem:$0x3F98]  }
0x1a: {  	s8 =	sadd.s32 $0xFFFFE003, lr  }
0x1b: {  	s9 =	sadd.s32 $0xFFFFFEF7, lr;
	s5 =	simm.s32 $0xFFFFFFFF;
	p2 =	slt.u32 s8, $0xFFFFF086  }
0x1c: {  	p1 =	slt.u32 s9, $0xF7A;
	s5 =	simm.s32 @!p2 $0x0  }
0x1d: {  	s5 =	simm.s32 @p1 $0x1;
	p0 =	seq.s32 s7, s2  }
0x1e: {  	s7 =	smul.u32 @!p0 $0xF7A, s2;
	p2 =	seq.s32 @!p0 s5, $0x0  }
0x1f: {  	s9 =	smul.u32 $0xF7A, s1;
	s8 =	simm.s32 @!p0 $0x1BF5;
	p2 =	por !p2, p0  }
0x20: {  	[sflag:s8] =	ssyncset.s32 @!p0 $0xFFFFF086;
	s6 =	sadd.s32 @!p0 s3, s7;
	s7 =	simm.s32 @!p0 $0x108  }
0x21: {  	s3 =	sadd.s32 s3, s9;
	s6 =	sadd.s32 @!p0 $0x88, s6;
	s7 =	simm.s32 @p2 $0x1082  }
0x22: {  	[simem:s7], [sflag:s8] =	dma.local @!p0 [hbm:s6], $0xF7A  }
0x23: {  	s9 =	sor.u32 $0xD0000000, s2;
	s6 =	simm.s32 $0x108;
	_ =	swait.ge @!p0 [sflag:s8], $0x0  }
0x24: {  	s3 =	sadd.s32 $0x88, s3;
	s6 =	simm.s32 @!p1 $0x1082;
	[sflag:s4] =	ssyncset.s32 $0xFFFFF086  }
0x25: {  	[simem:s6], [sflag:s4] =	dma.local [hbm:s3], $0xF7A  }
0x26: {  	[smem:$0x3F98] =	sst s1;
	(tag) =	ssettag s2;
	_ =	strace s9  }
0x27: {  	s1 =	sld [smem:$0x3FA8]  }
0x28: {  	s2 =	sld [smem:$0x3FA9]  }
0x29: {  	s4 =	sld [smem:$0x3FAB]  }
0x2a: {  	p0 =	seq.s32 s5, $0x0;
	s5 =	sld [smem:$0x3FAC]  }
0x2b: {  	s6 =	sld [smem:$0x3FAD]  }
0x2c: {  	s7 =	sld [smem:$0x3FAE]  }
0x2d: {  	s3 =	simm.s32 $0x108;
	s8 =	sld [smem:$0x3FAF]  }
0x2e: {  	s3 =	simm.s32 @!p0 $0x1082;
	s9 =	sld [smem:$0x3FB0]  }
0x2f: {  	lr =	sadd.s32 s0, s3;
	s0 =	sld [smem:$0x3FA7]  }
0x30: {  	s3 =	sld [smem:$0x3FAA]  }
0x31: {  	[smem:$0x3FB3] =	sst s10  }
0x32: {  	s10 =	sld [smem:$0x3FB1];
	_ =	sdelay $0x3  }
0x33: {  	p0 =	seq.s32 s10, $0x1;
	s10 =	sld [smem:$0x3FB3];
	_ =	sdelay $0x3  }
0x34: {  	[smem:$0x3FB3] =	sst s10  }
0x35: {  	s10 =	sld [smem:$0x3FB2];
	_ =	sdelay $0x3  }
0x36: {  	p1 =	seq.s32 s10, $0x1;
	s10 =	sld [smem:$0x3FB3];
	_ =	sdelay $0x3  }
0x37: {  	[smem:$0x3FB3] =	sst s10  }
0x38: {  	s10 =	sld [smem:$0x3FB4]  }
0x39: {  	_ = 	snop;
	(pc) =	sbr.ind lr, $3  }
0x3a: {  	_ = 	snop  }
0x3b: {  	_ = 	snop  }
0x3c: {  	p2 =	seq.s32 s10, $0x1;
	s10 =	sld [smem:$0x3FB3]  }
0x3d: {  	_ =	shalt  }
0x3e: {  	_ =	shalt  }
0x3f: {  	_ =	shalt  }
0x40: {  	_ =	shalt  }
0x41: {  	_ =	shalt  }
0x42: {  	_ =	shalt  }
0x43: {  	_ =	shalt  }
0x44: {  	_ =	shalt  }
0x45: {  	_ =	shalt  }
0x46: {  	_ =	shalt  }
0x47: {  	_ =	shalt  }
0x48: {  	_ =	shalt  }
0x49: {  	_ =	shalt  }
0x4a: {  	_ =	shalt  }
0x4b: {  	_ =	shalt  }
0x4c: {  	_ =	shalt  }
0x4d: {  	_ =	shalt  }
0x4e: {  	_ =	shalt  }
0x4f: {  	_ =	shalt  }
0x50: {  	_ =	shalt  }
0x51: {  	_ =	shalt  }
0x52: {  	_ =	shalt  }
0x53: {  	_ =	shalt  }
0x54: {  	_ =	shalt  }
0x55: {  	_ =	shalt  }
0x56: {  	_ =	shalt  }
0x57: {  	_ =	shalt  }
0x58: {  	_ =	shalt  }
0x59: {  	_ =	shalt  }
0x5a: {  	_ =	shalt  }
0x5b: {  	_ =	shalt  }
0x5c: {  	_ =	shalt  }
0x5d: {  	_ =	shalt  }
0x5e: {  	_ =	shalt  }
0x5f: {  	_ =	shalt  }
0x60: {  	_ =	shalt  }
0x61: {  	_ =	shalt  }
0x62: {  	_ =	shalt  }
0x63: {  	_ =	shalt  }
0x64: {  	_ =	shalt  }
0x65: {  	_ =	shalt  }
0x66: {  	_ =	shalt  }
0x67: {  	_ =	shalt  }
0x68: {  	_ =	shalt  }
0x69: {  	_ =	shalt  }
0x6a: {  	_ =	shalt  }
0x6b: {  	_ =	shalt  }
0x6c: {  	_ =	shalt  }
0x6d: {  	_ =	shalt  }
0x6e: {  	_ =	shalt  }
0x6f: {  	_ =	shalt  }
0x70: {  	_ =	shalt  }
0x71: {  	_ =	shalt  }
0x72: {  	_ =	shalt  }
0x73: {  	_ =	shalt  }
0x74: {  	_ =	shalt  }
0x75: {  	_ =	shalt  }
0x76: {  	_ =	shalt  }
0x77: {  	_ =	shalt  }
0x78: {  	_ =	shalt  }
0x79: {  	_ =	shalt  }
0x7a: {  	_ =	shalt  }
0x7b: {  	_ =	shalt  }
0x7c: {  	_ =	shalt  }
0x7d: {  	_ =	shalt  }
0x7e: {  	_ =	shalt  }
0x7f: {  	_ =	shalt  }
0x80: {  	_ =	shalt  }
0x81: {  	_ =	shalt  }
0x82: {  	_ =	shalt  }
0x83: {  	_ =	shalt  }
0x84: {  	_ =	shalt  }
0x85: {  	_ =	shalt  }
0x86: {  	_ =	shalt  }
0x87: {  	_ =	shalt  }
.Lfunc_end0:
.L_simem_size_0:
called_computation_lowered:
.L_overlay_start_0:
0x88: {  	s2 =	sld [smem:$0x3FD9]  }
0x89: {  	s3 =	sld [smem:$0x3FFE];
	_ =	sdelay $0x1  }
0x8a: {  	s1 =	srdreg.scid  }
0x8b: {  	s0 =	sand.u32 $0x1, s1  }
0x8c: {  	s17 =	sshll.u32 s0, $0xA;
	s2 =	sadd.s32 s3, s2  }
0x8d: {  	s2 =	sadd.s32 s2, s17  }
0x8e: {  	[smem:$0x3FBF] =	sst s2  }
0x8f: {  	_ = 	snop  }
0x90: {  	s2 =	sld [smem:$0x3FD0];
	(tm) =	ssettm $0x1  }
0x91: {  	s18 =	sld [smem:$0x3FFB];
	_ =	sdelay $0x3  }
0x92: {  	_ =	strace s18  }
0x93: {  	s3 =	sld [smem:$0x3FFC];
	_ =	sdelay $0x3  }
0x94: {  	_ =	strace s3  }
0x95: {  	s3 =	sld [smem:$0x3FFD];
	_ =	sdelay $0x3  }
0x96: {  	_ =	strace s3  }
0x97: {  	_ =	strace $0x8FFFFFFF  }
0x98: {  	s19 =	sld [smem:$0x3FDB];
	_ =	sdelay $0x1  }
0x99: {  	s4 =	simm.s32 $_scs_section_size  }
0x9a: {  	s5 =	simm.s32 $_size__tile_overlayer_lowered;
	s6 =	simm.s32 $_tile_overlayer_lowered  }
0x9b: {  	s22 =	simm.s32 $0x1BFF;
	s21 =	sshll.u32 s6, $0x1;
	s3 =	sadd.s32 s4, s19  }
0x9c: {  	s7 =	simm.s32 $0x0;
	s20 =	sshll.u32 s5, $0x1;
	s5 =	sadd.s32 s21, s3  }
0x9d: {  	[timem:s7], [sflag:s22] =	dma.local [hbm:s5], s20  }
0x9e: {  	_ =	swait.ge [sflag:s22], s20  }
0x9f: {  	s4 =	ssub.s32 $0x0, s20;
	[sflag:s22] =	ssyncset.done $0x0  }
0xa0: {  	[sflag:s22] =	ssyncadd.s32 s4;
	_ =	sdelay $0x1  }
0xa1: {  	s23 =	simm.s32 $0x1B8B  }
0xa2: {  	_ =	swait.ge [sflag:s23], $0x1  }
0xa3: {  	[sflag:s23] =	ssyncset.done $0x0  }
0xa4: {  	s25 =	simm.s32 $0x1B8E;
	s24 =	sld [smem:$0x3FFE];
	[sflag:s23] =	ssyncadd.s32 $0xFFFFFFFF  }
0xa5: {  	s26 =	simm.s32 $execute0_lowered;
	[smem:$0x3FD2] =	sst s25  }
0xa6: {  	s5 =	sshll.u32 s26, $0x1;
	_ =	strace $0x80000046;
	[dreg:$0x1] =	wrdreg $0xFFFFFFFF  }
0xa7: {  	s28 =	simm.s32 $_size_execute0_lowered;
	s3 =	sadd.s32 s3, s5;
	[dreg:$0x0] =	wrdreg $0x0  }
0xa8: {  	s5 =	sshll.u32 s28, $0x1;
	[dreg:$0x2] =	wrdreg s3  }
0xa9: {  	[dreg:$0x3] =	wrdreg s5  }
0xaa: {  	[dreg:$0x4] =	wrdreg $0xC0  }
0xab: {  	_ =	task [dreg:s7], $0x5FFFF  }
0xac: {  	[dreg:$0x1] =	wrdreg $0xFFFFFFFF  }
0xad: {  	[dreg:$0x0] =	wrdreg $0x60  }
0xae: {  	[dreg:$0x2] =	wrdreg s24  }
0xaf: {  	[dreg:$0x3] =	wrdreg s2  }
0xb0: {  	[dreg:$0x4] =	wrdreg $0x2BE80  }
0xb1: {  	[dreg:$0x5] =	wrdreg $0x9  }
0xb2: {  	_ =	task.clear_ibuf [dreg:s7], $0x6FFFF;
	_ =	strace $0x90000046  }
0xb3: {  	s29 =	simm.s32 $0x9;
	_ =	strace $0x80000048  }
0xb4: {  	_ =	swait.ge [sflag:s29], $0x1  }
0xb5: {  	[sflag:s29] =	ssyncadd.s32 $0xFFFFFFFF  }
0xb6: {  	_ =	strace $0x90000048  }
0xb7: {  	_ =	sfence  }
0xb8: {  	s30 =	sld [smem:$0x0];
	_ =	sdelay $0x2  }
0xb9: {  	s31 =	sshll.u32 s1, $0xD;
	s1 =	sshrl.u32 s1, $0x2  }
0xba: {  	s3 =	sand.u32 $0x4000, s31;
	s1 =	sadd.s32 s1, s30  }
0xbb: {  	s0 =	sor.u32 s3, s0;
	s1 =	sshll.u32 s1, $0x11  }
0xbc: {  	s0 =	sor.u32 s1, s0  }
0xbd: {  	s0 =	sadd.s32 $0x8F2B, s0  }
0xbe: {  	[sflag:s0] =	ssyncadd.remote.s32 $0x1  }
0xbf: {  	_ =	sfence.sel $0xFFFF  }
0xc0: {  	[dreg:$0x0] =	wrdreg $0xFFFFFFFF;
	(pc) =	sbr.abs _section_cstart, $3  }
0xc1: {  	[dreg:$0x1] =	wrdreg $0xFFFFFFFF  }
0xc2: {  	_ =	task.clear_ibuf [dreg:s7], $0x2FFFF;
	_ =	strace $0x9FFFFFFF  }
0xc3: {  	(tm) =	ssettm $0x7FFFFFFF  }
tec
execute0_lowered:
.L_overlay_start_1:
0x0: {  	(tag) =	ssettag $0x1  }
0x1: {  	s6 =	rddreg [dreg:$0x0]  }
0x2: {  	s2 =	rddreg [dreg:$0x1]  }
0x3: {  	s0 =	srdreg.scid;
	s3 =	rddreg [dreg:$0x2]  }
0x4: {  	s1 =	stileid.u32;
	s4 =	simm.s32 $0x0;
	s12 =	simm.s32 $0x2800  }
0x5: {  	s13 =	simm.s32 $0x7D;
	s5 =	sand.u32 $0x1, s0;
	s0 =	rddreg [dreg:$0x3]  }
0x6: {  	s14 =	simm.s32 $0x0;
	s8 =	smul.u32 $0x1400, s1;
	[smem:$0x7FF] =	sst s4  }
0x7: {  	s31 =	sshll.u32 s1, $0x6;
	s7 =	sshll.u32 s5, $0x4;
	s9 =	smul.u32 $0x14000, s5  }
0x8: {  	_ =	strace $0x80000047;
	s10 =	ssub.s32 $0x2, s5;
	s7 =	sor.u32 s1, s7  }
0x9: {  	s5 =	sadd.s32 $0xBA00, s6;
	s7 =	smul.u32 $0x500, s7;
	s9 =	sadd.s32 s8, s9  }
0xa: {  	s30 =	sshrl.u32 s10, $0x1;
	s11 =	sadd.s32 s8, s3;
	s9 =	sshrl.u32 s9, $0x3  }
0xb: {  	s10 =	ssub.s32 s10, s30;
	s7 =	sadd.s32 s7, s6;
	s9 =	sadd.s32 s9, s6  }
0xc: {  	s6 =	sor.u32 $0x1C01, s31;
	s7 =	sadd.s32 $0x1A00, s7;
	s8 =	sadd.s32 $0xBE00, s9  }
0xd: {  	s9 =	smax.u32 s10, $0x1;
	s10 =	sshrl.u32 s11, $0x3;
	s11 =	simm.s32 $0x1  }
.LBB2_1:
0xe: {  	[spmem:s10], [sflag:s6] =	dma.local [hbm:s5], $0x280  }
0xf: {  	_ =	swait.ge [sflag:s11], $0x280  }
0x10: {  	[sflag:s11] =	ssyncset.done $0x0  }
0x11: {  	[sflag:s11] =	ssyncadd.s32 $0xFFFFFD80  }
0x12: {  	[tilespmem:s4], [sflag:$0x1] =	stream.linear.gather [hbm4b:s7+s4], $0x2800, $0x38;
	[tilespmem:$0x3FE8] =	vst v63  }
0x13: {  	_ =	swait.ge [sflag:s11], $0x2800  }
0x14: {  	[sflag:s11] =	ssyncset.done $0x0  }
0x15: {  	[sflag:s11] =	ssyncadd.s32 $0xFFFFD800  }
0x16: {  	[tilespmem:s12], [sflag:$0x1] =	stream.linear.gather [hbm4b:s2+s4], $0x3E8, $0x38;
	[tilespmem:$0x3FE8] =	vst v63  }
0x17: {  	_ =	swait.ge [sflag:s11], $0x3E8  }
0x18: {  	[sflag:s11] =	ssyncset.done $0x0  }
0x19: {  	[sflag:s11] =	ssyncadd.s32 $0xFFFFFC18  }
0x1a: {  	s15 =	simm.s32 $0x0;
	[bflag:$0x0] =	sbarrier.arrive $0xFFFF  }
0x1b: {  	[spmem:s3] =	stream.indirect.scatter.add.f32 [tilespmem:s12], [sflag:$0x1], $0x8, s15, s13, $0xb8;
	[tilespmem:$0x3FE8] =	vst v63  }
0x1c: {  	_ =	swait.ge [sflag:s11], $0x3E8  }
0x1d: {  	[sflag:s11] =	ssyncset.done $0x0  }
0x1e: {  	s29 =	simm.s32 $0x80;
	[sflag:s11] =	ssyncadd.s32 $0xFFFFFC18  }
0x1f: {  	[spmem:s3] =	stream.indirect.scatter.add.f32 [tilespmem:s12], [sflag:$0x1], $0x8, s29, s13, $0xb8;
	[tilespmem:$0x3FE8] =	vst v63  }
0x20: {  	_ =	swait.ge [sflag:s11], $0x3E8  }
0x21: {  	[sflag:s11] =	ssyncset.done $0x0  }
0x22: {  	s30 =	simm.s32 $0x100;
	[sflag:s11] =	ssyncadd.s32 $0xFFFFFC18  }
0x23: {  	[spmem:s3] =	stream.indirect.scatter.add.f32 [tilespmem:s12], [sflag:$0x1], $0x8, s30, s13, $0xb8;
	[tilespmem:$0x3FE8] =	vst v63  }
0x24: {  	_ =	swait.ge [sflag:s11], $0x3E8  }
0x25: {  	[sflag:s11] =	ssyncset.done $0x0  }
0x26: {  	s31 =	simm.s32 $0x180;
	[sflag:s11] =	ssyncadd.s32 $0xFFFFFC18  }
0x27: {  	[spmem:s3] =	stream.indirect.scatter.add.f32 [tilespmem:s12], [sflag:$0x1], $0x8, s31, s13, $0xb8;
	[tilespmem:$0x3FE8] =	vst v63  }
0x28: {  	_ =	swait.ge [sflag:s11], $0x3E8  }
0x29: {  	s16 =	simm.s32 $0x4;
	s15 =	simm.s32 $0x380;
	[sflag:s11] =	ssyncset.done $0x0  }
.LBB2_2:
0x2a: {  	s16 =	sadd.s32 $0x4, s16;
	s17 =	sadd.s32 $0xFFFFFE80, s15;
	[sflag:s11] =	ssyncadd.s32 $0xFFFFFC18  }
0x2b: {  	[spmem:s3] =	stream.indirect.scatter.add.f32 [tilespmem:s12], [sflag:$0x1], $0x8, s17, s13, $0xb8;
	[tilespmem:$0x3FE8] =	vst v63  }
0x2c: {  	p0 =	slt.u32 s16, $0x4C;
	_ =	swait.ge [sflag:s11], $0x3E8  }
0x2d: {  	[sflag:s11] =	ssyncset.done $0x0  }
0x2e: {  	s17 =	sadd.s32 $0xFFFFFF00, s15;
	[sflag:s11] =	ssyncadd.s32 $0xFFFFFC18  }
0x2f: {  	[spmem:s3] =	stream.indirect.scatter.add.f32 [tilespmem:s12], [sflag:$0x1], $0x8, s17, s13, $0xb8;
	[tilespmem:$0x3FE8] =	vst v63  }
0x30: {  	_ =	swait.ge [sflag:s11], $0x3E8  }
0x31: {  	[sflag:s11] =	ssyncset.done $0x0  }
0x32: {  	s17 =	sadd.s32 $0xFFFFFF80, s15;
	[sflag:s11] =	ssyncadd.s32 $0xFFFFFC18  }
0x33: {  	[spmem:s3] =	stream.indirect.scatter.add.f32 [tilespmem:s12], [sflag:$0x1], $0x8, s17, s13, $0xb8;
	[tilespmem:$0x3FE8] =	vst v63  }
0x34: {  	_ =	swait.ge [sflag:s11], $0x3E8  }
.Ltmp0:
0x35: {  	[sflag:s11] =	ssyncset.done $0x0;
	(pc) =	sbr.rel @p0 .LBB2_2-.Ltmp0, $4  }
0x36: {  	[sflag:s11] =	ssyncadd.s32 $0xFFFFFC18  }
0x37: {  	[spmem:s3] =	stream.indirect.scatter.add.f32 [tilespmem:s12], [sflag:$0x1], $0x8, s15, s13, $0xb8;
	[tilespmem:$0x3FE8] =	vst v63  }
0x38: {  	_ =	swait.ge [sflag:s11], $0x3E8  }
0x39: {  	s15 =	sadd.s32 $0x200, s15;
	[sflag:s11] =	ssyncset.done $0x0  }
0x3a: {  	s16 =	sadd.s32 $0xFFFFFE80, s15;
	[sflag:s11] =	ssyncadd.s32 $0xFFFFFC18  }
0x3b: {  	[spmem:s3] =	stream.indirect.scatter.add.f32 [tilespmem:s12], [sflag:$0x1], $0x8, s16, s13, $0xb8;
	[tilespmem:$0x3FE8] =	vst v63  }
0x3c: {  	_ =	swait.ge [sflag:s11], $0x3E8  }
0x3d: {  	[sflag:s11] =	ssyncset.done $0x0  }
0x3e: {  	s30 =	sadd.s32 $0xFFFFFF00, s15;
	[sflag:s11] =	ssyncadd.s32 $0xFFFFFC18  }
0x3f: {  	[spmem:s3] =	stream.indirect.scatter.add.f32 [tilespmem:s12], [sflag:$0x1], $0x8, s30, s13, $0xb8;
	[tilespmem:$0x3FE8] =	vst v63  }
0x40: {  	_ =	swait.ge [sflag:s11], $0x3E8  }
0x41: {  	[sflag:s11] =	ssyncset.done $0x0  }
0x42: {  	s31 =	sadd.s32 $0xFFFFFF80, s15;
	[sflag:s11] =	ssyncadd.s32 $0xFFFFFC18  }
0x43: {  	[spmem:s3] =	stream.indirect.scatter.add.f32 [tilespmem:s12], [sflag:$0x1], $0x8, s31, s13, $0xb8;
	[tilespmem:$0x3FE8] =	vst v63  }
0x44: {  	_ =	swait.ge [sflag:s11], $0x3E8  }
0x45: {  	[sflag:s11] =	ssyncset.done $0x0  }
0x46: {  	[sflag:s11] =	ssyncadd.s32 $0xFFFFFC18  }
0x47: {  	[spmem:s3] =	stream.indirect.scatter.add.f32 [tilespmem:s12], [sflag:$0x1], $0x8, s15, s13, $0xb8;
	[tilespmem:$0x3FE8] =	vst v63  }
0x48: {  	_ =	swait.ge [sflag:s11], $0x3E8  }
0x49: {  	s14 =	sadd.s32 $0x1, s14;
	[sflag:s11] =	ssyncset.done $0x0  }
0x4a: {  	p0 =	sne.s32 s14, s9;
	[sflag:s11] =	ssyncadd.s32 $0xFFFFFC18  }
.Ltmp1:
0x4b: {  	[bflag:$0x0] =	sbarrier.arrive $0xFFFF;
	(pc) =	sbr.rel @p0 .LBB2_1-.Ltmp1, $4  }
0x4c: {  	[hbm:s8], [sflag:s6] =	dma.local [spmem:s10], $0x280  }
0x4d: {  	_ =	swait.ge [sflag:s11], $0x280  }
0x4e: {  	[sflag:s11] =	ssyncset.done $0x0  }
0x4f: {  	[sflag:s11] =	ssyncadd.s32 $0xFFFFFD80  }
0x50: {  	_ =	sfence.sel $0x180000  }
0x51: {  	[bflag:$0x0] =	sbarrier.arrive $0xFFFF  }
0x52: {  	p0 =	sne.s32 s1, $0x0;
	_ =	strace $0x90000047  }
0x53: {  	s0 =	sadd.s32 @!p0 $0x100000, s0;
	[bflag:$0x2] =	sbarrier.arrive $0xFFFF  }
0x54: {  	[sflag:s0] =	ssyncadd.tile.s32 @!p0 $0x1;
	_ =	shalt  }
.Lfunc_end2:
_tile_overlayer_lowered:
.L_overlay_start_2:
0x55: {  	(tag) =	ssettag $0x2  }
0x56: {  	s0 =	rddreg [dreg:$0x0];
	s2 =	stileid.u32  }
0x57: {  	s1 =	rddreg [dreg:$0x1];
	p0 =	sne.s32 s2, $0x0  }
0x58: {  	s3 =	rddreg [dreg:$0x2];
	[bflag:$0x3] =	sbarrier.arrive $0xFFFF;
	s2 =	simm.s32 @!p0 $0x1C01  }
0x59: {  	[timem:s3], [sflag:s2] =	dma.local @!p0 [hbm:s0], s1  }
0x5a: {  	s0 =	simm.s32 @!p0 $0x1  }
0x5b: {  	_ =	swait.ge @!p0 [sflag:s0], s1  }
0x5c: {  	s1 =	ssub.s32 @!p0 $0x0, s1;
	[sflag:s0] =	ssyncset.done @!p0 $0x0  }
0x5d: {  	[sflag:s0] =	ssyncadd.s32 @!p0 s1  }
0x5e: {  	[bflag:$0x3] =	sbarrier.arrive $0xFFFF  }
0x5f: {  	_ =	shalt  }

</sc_bundles>
